<compile_context>
chip_gen: v7x
topology: tpu7x:2x2x1
jax: 0.10.2.dev20260603
libtpu: 0.0.44.dev20260713+nightly
codegen_flags: <defaults>
</compile_context>

<pallas_src>
import functools

import jax
import jax.numpy as jnp
from jax import lax
from jax.experimental import pallas as pl
from jax.experimental.pallas import tpu as pltpu
from jax.experimental.pallas import tpu_sc as plsc

_LANES = 16


def _build_gather(P, C, K, rows_chunk):
    info = plsc.get_sparse_core_info()
    nc, ns = info.num_cores, info.num_subcores
    nw = nc * ns
    rows_w = P // nw
    n_chunks = rows_w // rows_chunk
    assert P % nw == 0 and rows_w % rows_chunk == 0 and K % _LANES == 0

    mesh = plsc.VectorSubcoreMesh(core_axis_name="c", subcore_axis_name="s")

    @functools.partial(
        pl.kernel,
        mesh=mesh,
        out_type=jax.ShapeDtypeStruct((P, K), jnp.float32),
        compiler_params=pltpu.CompilerParams(needs_layout_passes=False),
        scratch_types=[
            pltpu.VMEM((K,), jnp.int32),
            pltpu.VMEM((2, rows_chunk, C), jnp.float32),
            pltpu.VMEM((2, rows_chunk, K), jnp.float32),
            pltpu.SemaphoreType.DMA,
            pltpu.SemaphoreType.DMA,
        ],
    )
    def gather_rows(x_hbm, keep_hbm, out_hbm, keep_v, ibufs, obufs, isem, osem):
        wid = lax.axis_index("s") * nc + lax.axis_index("c")
        row0 = wid * rows_w
        pltpu.sync_copy(keep_hbm, keep_v)
        kvecs = [keep_v[pl.ds(j * _LANES, _LANES)] for j in range(K // _LANES)]

        def in_slice(k):
            return x_hbm.at[pl.ds(row0 + k * rows_chunk, rows_chunk)]

        def out_slice(k):
            return out_hbm.at[pl.ds(row0 + k * rows_chunk, rows_chunk)]

        pltpu.async_copy(in_slice(0), ibufs.at[0], isem)

        def step(k):
            p = lax.rem(k, 2)

            @pl.when(k + 1 < n_chunks)
            def _():
                pltpu.async_copy(in_slice(k + 1), ibufs.at[1 - p], isem)

            pltpu.make_async_copy(in_slice(k), ibufs.at[p], isem).wait()

            @pl.when(k >= 2)
            def _():
                pltpu.make_async_copy(
                    obufs.at[p], out_slice(k - 2), osem
                ).wait()

            pv = jnp.broadcast_to(p, (_LANES,)).astype(jnp.int32)

            def row(r):
                rv = jnp.broadcast_to(r, (_LANES,)).astype(jnp.int32)
                for j in range(K // _LANES):
                    obufs[p, r, pl.ds(j * _LANES, _LANES)] = plsc.load_gather(
                        ibufs, [pv, rv, kvecs[j]]
                    )

            pl.loop(0, rows_chunk, unroll=4)(row)
            pltpu.async_copy(obufs.at[p], out_slice(k), osem)

        pl.loop(0, n_chunks)(step)

        for k in (n_chunks - 2, n_chunks - 1):
            pltpu.make_async_copy(obufs.at[k % 2], out_slice(k), osem).wait()

    return gather_rows


def kernel(x, keep):
    B, C, H, W = x.shape
    K = keep.shape[0]
    P = B * H * W
    xt = x.transpose(0, 2, 3, 1).reshape(P, C)
    gather_rows = _build_gather(P, C, K, rows_chunk=56)
    out_t = gather_rows(xt, keep)
    return out_t.reshape(B, H, W, K).transpose(0, 3, 1, 2)

# --- scband reference (transcript-rebuilt; emitter-appended) ---
"""Pipeline reference for scband-downsample-layer-44349832298924 (READ-ONLY COPY).

The authoritative reference and input builder live on the scoring server;
editing this copy changes nothing except your own understanding.
"""

import jax, jax.numpy as jnp
import numpy as np


def setup_inputs(seed: int = 0) -> dict:
    key = jax.random.key(seed)
    x = jax.random.normal(key, (32, 768, 56, 56), dtype=jnp.float32)
    # keep_indices_tensor from __init__: multiples of 3 in [0, 768), i.e. 256 kept channels
    keep = jnp.arange(256, dtype=jnp.int32) * 3
    return {"x": x, "keep": keep}


def reference(x, keep):
    # torch.index_select(x, 1, keep_tensor) -> gather along channel dim
    y = jnp.take(x, keep, axis=1)
    return y

if __name__ == "__main__":
    import jax
    _d = setup_inputs()
    print(jax.jit(kernel)(*tuple(_d.values())))

</pallas_src>

<mosaic_0001>
#map = affine_map<(d0, d1) -> (0, 0)>
#map1 = affine_map<(d0, d1) -> (0)>
module attributes {stable_mosaic.version = 14 : i64} {
  func.func @gather_rows(%arg0: i32, %arg1: i32, %arg2: memref<100352x768xf32, #tpu.memory_space<hbm>>, %arg3: memref<256xi32, #tpu.memory_space<hbm>>, %arg4: memref<100352x256xf32, #tpu.memory_space<hbm>>, %arg5: memref<256xi32, #tpu.memory_space<vmem>>, %arg6: memref<2x56x768xf32, #tpu.memory_space<vmem>>, %arg7: memref<2x56x256xf32, #tpu.memory_space<vmem>>, %arg8: memref<!tpu.dma_semaphore, #tpu.memory_space<semaphore_mem>>, %arg9: memref<!tpu.dma_semaphore, #tpu.memory_space<semaphore_mem>>) attributes {dimension_semantics = [#tpu.dimension_semantics<core_parallel>, #tpu.dimension_semantics<subcore_parallel>], iteration_bounds = array<i64: 2, 16>, scalar_prefetch = 0 : i64, scratch_operands = 5 : i64, tpu.core_type = #tpu.core_type<sc_vector_subcore>, window_params = [{transform_indices = #map}, {transform_indices = #map1}, {transform_indices = #map}]} {
    %mul3A = arith.constant 2 : i32
    %mul3A_0 = arith.muli %arg1, %mul3A : i32
    %add3A = arith.addi %mul3A_0, %arg0 : i32
    %mul3A_1 = arith.constant 3136 : i32
    %mul3A_2 = arith.muli %add3A, %mul3A_1 : i32
    "tpu.region"() ({
      %run_scoped3A = tpu.sem_alloc : memref<!tpu.dma_semaphore, #tpu.memory_space<semaphore_mem>>
      tpu.enqueue_dma source(%arg3 : memref<256xi32, #tpu.memory_space<hbm>>) target(%arg5 : memref<256xi32, #tpu.memory_space<vmem>>) target_semaphore(%run_scoped3A : memref<!tpu.dma_semaphore, #tpu.memory_space<semaphore_mem>>)
      tpu.wait_dma2 semaphore(%run_scoped3A : memref<!tpu.dma_semaphore, #tpu.memory_space<semaphore_mem>>) src(%arg3 : memref<256xi32, #tpu.memory_space<hbm>>) dst(%arg5 : memref<256xi32, #tpu.memory_space<vmem>>)
      tpu.yield
    }) : () -> ()
    %get3A = arith.constant 0 : index
    %get3A_3 = tpu.vector_load %arg5[%get3A] {strides = array<i32>} : memref<256xi32, #tpu.memory_space<vmem>>, vector<16xi32>,
    %get3A_4 = arith.constant 16 : index
    %get3A_5 = tpu.vector_load %arg5[%get3A_4] {strides = array<i32>} : memref<256xi32, #tpu.memory_space<vmem>>, vector<16xi32>,
    %get3A_6 = arith.constant 32 : index
    %get3A_7 = tpu.vector_load %arg5[%get3A_6] {strides = array<i32>} : memref<256xi32, #tpu.memory_space<vmem>>, vector<16xi32>,
    %get3A_8 = arith.constant 48 : index
    %get3A_9 = tpu.vector_load %arg5[%get3A_8] {strides = array<i32>} : memref<256xi32, #tpu.memory_space<vmem>>, vector<16xi32>,
    %get3A_10 = arith.constant 64 : index
    %get3A_11 = tpu.vector_load %arg5[%get3A_10] {strides = array<i32>} : memref<256xi32, #tpu.memory_space<vmem>>, vector<16xi32>,
    %get3A_12 = arith.constant 80 : index
    %get3A_13 = tpu.vector_load %arg5[%get3A_12] {strides = array<i32>} : memref<256xi32, #tpu.memory_space<vmem>>, vector<16xi32>,
    %get3A_14 = arith.constant 96 : index
    %get3A_15 = tpu.vector_load %arg5[%get3A_14] {strides = array<i32>} : memref<256xi32, #tpu.memory_space<vmem>>, vector<16xi32>,
    %get3A_16 = arith.constant 112 : index
    %get3A_17 = tpu.vector_load %arg5[%get3A_16] {strides = array<i32>} : memref<256xi32, #tpu.memory_space<vmem>>, vector<16xi32>,
    %get3A_18 = arith.constant 128 : index
    %get3A_19 = tpu.vector_load %arg5[%get3A_18] {strides = array<i32>} : memref<256xi32, #tpu.memory_space<vmem>>, vector<16xi32>,
    %get3A_20 = arith.constant 144 : index
    %get3A_21 = tpu.vector_load %arg5[%get3A_20] {strides = array<i32>} : memref<256xi32, #tpu.memory_space<vmem>>, vector<16xi32>,
    %get3A_22 = arith.constant 160 : index
    %get3A_23 = tpu.vector_load %arg5[%get3A_22] {strides = array<i32>} : memref<256xi32, #tpu.memory_space<vmem>>, vector<16xi32>,
    %get3A_24 = arith.constant 176 : index
    %get3A_25 = tpu.vector_load %arg5[%get3A_24] {strides = array<i32>} : memref<256xi32, #tpu.memory_space<vmem>>, vector<16xi32>,
    %get3A_26 = arith.constant 192 : index
    %get3A_27 = tpu.vector_load %arg5[%get3A_26] {strides = array<i32>} : memref<256xi32, #tpu.memory_space<vmem>>, vector<16xi32>,
    %get3A_28 = arith.constant 208 : index
    %get3A_29 = tpu.vector_load %arg5[%get3A_28] {strides = array<i32>} : memref<256xi32, #tpu.memory_space<vmem>>, vector<16xi32>,
    %get3A_30 = arith.constant 224 : index
    %get3A_31 = tpu.vector_load %arg5[%get3A_30] {strides = array<i32>} : memref<256xi32, #tpu.memory_space<vmem>>, vector<16xi32>,
    %get3A_32 = arith.constant 240 : index
    %get3A_33 = tpu.vector_load %arg5[%get3A_32] {strides = array<i32>} : memref<256xi32, #tpu.memory_space<vmem>>, vector<16xi32>,
    %add3A_34 = arith.constant 0 : i32
    %add3A_35 = arith.addi %mul3A_2, %add3A_34 : i32
    %dma_start3A = arith.constant 0 : i32
    %dma_start3A_36 = arith.constant 0 : i32
    %dma_start3A_37 = arith.constant 0 : i32
    %dma_start3A_38 = tpu.memref_slice %arg6[%dma_start3A, %dma_start3A_36, %dma_start3A_37] : memref<2x56x768xf32, #tpu.memory_space<vmem>> -> memref<1x56x768xf32, #tpu.memory_space<vmem>>
    %dma_start3A_39 = tpu.memref_squeeze %dma_start3A_38 : memref<1x56x768xf32, #tpu.memory_space<vmem>> -> memref<56x768xf32, #tpu.memory_space<vmem>>
    %dma_start3A_40 = arith.constant 0 : i32
    %dma_start3A_41 = tpu.memref_slice %arg2[%add3A_35, %dma_start3A_40] : memref<100352x768xf32, #tpu.memory_space<hbm>> -> memref<56x768xf32, #tpu.memory_space<hbm>>
    %dma_start3A_42 = arith.constant 0 : i32
    %dma_start3A_43 = arith.constant 0 : i32
    %dma_start3A_44 = tpu.memref_slice %arg6[%dma_start3A, %dma_start3A_42, %dma_start3A_43] : memref<2x56x768xf32, #tpu.memory_space<vmem>> -> memref<1x56x768xf32, #tpu.memory_space<vmem>>
    %dma_start3A_45 = tpu.memref_squeeze %dma_start3A_44 : memref<1x56x768xf32, #tpu.memory_space<vmem>> -> memref<56x768xf32, #tpu.memory_space<vmem>>
    %dma_start3A_46 = arith.constant 0 : i32
    %dma_start3A_47 = tpu.memref_slice %arg2[%add3A_35, %dma_start3A_46] : memref<100352x768xf32, #tpu.memory_space<hbm>> -> memref<56x768xf32, #tpu.memory_space<hbm>>
    tpu.enqueue_dma source(%dma_start3A_47 : memref<56x768xf32, #tpu.memory_space<hbm>>) target(%dma_start3A_45 : memref<56x768xf32, #tpu.memory_space<vmem>>) target_semaphore(%arg8 : memref<!tpu.dma_semaphore, #tpu.memory_space<semaphore_mem>>)
    %scan3A = arith.constant 0 : i32
    %scan3A_48 = arith.constant 56 : i32
    %scan3A_49 = arith.addi %scan3A, %scan3A_48 : i32
    %scan3A_50 = arith.constant 1 : i32
    scf.for %scan3A_81 = %scan3A to %scan3A_49 step %scan3A_50  : i32 {
      %mul3A_82 = arith.constant 1 : i32
      %mul3A_83 = arith.muli %scan3A_81, %mul3A_82 : i32
      %add3A_84 = arith.constant 0 : i32
      %add3A_85 = arith.addi %add3A_84, %mul3A_83 : i32
      %rem3A = arith.constant 2 : i32
      %rem3A_86 = arith.remsi %add3A_85, %rem3A : i32
      %add3A_87 = arith.constant 1 : i32
      %add3A_88 = arith.addi %add3A_85, %add3A_87 : i32
      %lt3A = arith.constant 56 : i32
      %lt3A_89 = arith.cmpi slt, %add3A_88, %lt3A : i32
      %convert_element_type3A = arith.extui %lt3A_89 : i1 to i32
      %cond3A = arith.constant 0 : i32
      %cond3A_90 = arith.cmpi ne, %convert_element_type3A, %cond3A : i32
      scf.if %cond3A_90 {
        %add3A_130 = arith.constant 1 : i32
        %add3A_131 = arith.addi %add3A_85, %add3A_130 : i32
        %mul3A_132 = arith.constant 56 : i32
        %mul3A_133 = arith.muli %add3A_131, %mul3A_132 : i32
        %add3A_134 = arith.addi %mul3A_2, %mul3A_133 : i32
        %sub3A = arith.constant 1 : i32
        %sub3A_135 = arith.subi %sub3A, %rem3A_86 : i32
        %dma_start3A_136 = arith.constant 0 : i32
        %dma_start3A_137 = arith.constant 0 : i32
        %dma_start3A_138 = tpu.memref_slice %arg6[%sub3A_135, %dma_start3A_136, %dma_start3A_137] : memref<2x56x768xf32, #tpu.memory_space<vmem>> -> memref<1x56x768xf32, #tpu.memory_space<vmem>>
        %dma_start3A_139 = tpu.memref_squeeze %dma_start3A_138 : memref<1x56x768xf32, #tpu.memory_space<vmem>> -> memref<56x768xf32, #tpu.memory_space<vmem>>
        %dma_start3A_140 = arith.constant 0 : i32
        %dma_start3A_141 = tpu.memref_slice %arg2[%add3A_134, %dma_start3A_140] : memref<100352x768xf32, #tpu.memory_space<hbm>> -> memref<56x768xf32, #tpu.memory_space<hbm>>
        %dma_start3A_142 = arith.constant 0 : i32
        %dma_start3A_143 = arith.constant 0 : i32
        %dma_start3A_144 = tpu.memref_slice %arg6[%sub3A_135, %dma_start3A_142, %dma_start3A_143] : memref<2x56x768xf32, #tpu.memory_space<vmem>> -> memref<1x56x768xf32, #tpu.memory_space<vmem>>
        %dma_start3A_145 = tpu.memref_squeeze %dma_start3A_144 : memref<1x56x768xf32, #tpu.memory_space<vmem>> -> memref<56x768xf32, #tpu.memory_space<vmem>>
        %dma_start3A_146 = arith.constant 0 : i32
        %dma_start3A_147 = tpu.memref_slice %arg2[%add3A_134, %dma_start3A_146] : memref<100352x768xf32, #tpu.memory_space<hbm>> -> memref<56x768xf32, #tpu.memory_space<hbm>>
        tpu.enqueue_dma source(%dma_start3A_147 : memref<56x768xf32, #tpu.memory_space<hbm>>) target(%dma_start3A_145 : memref<56x768xf32, #tpu.memory_space<vmem>>) target_semaphore(%arg8 : memref<!tpu.dma_semaphore, #tpu.memory_space<semaphore_mem>>)
      } else {
      }
      %mul3A_91 = arith.constant 56 : i32
      %mul3A_92 = arith.muli %add3A_85, %mul3A_91 : i32
      %add3A_93 = arith.addi %mul3A_2, %mul3A_92 : i32
      %dma_wait3A_94 = arith.constant 0 : i32
      %dma_wait3A_95 = arith.constant 0 : i32
      %dma_wait3A_96 = tpu.memref_slice %arg6[%rem3A_86, %dma_wait3A_94, %dma_wait3A_95] : memref<2x56x768xf32, #tpu.memory_space<vmem>> -> memref<1x56x768xf32, #tpu.memory_space<vmem>>
      %dma_wait3A_97 = tpu.memref_squeeze %dma_wait3A_96 : memref<1x56x768xf32, #tpu.memory_space<vmem>> -> memref<56x768xf32, #tpu.memory_space<vmem>>
      %dma_wait3A_98 = arith.constant 0 : i32
      %dma_wait3A_99 = tpu.memref_slice %arg2[%add3A_93, %dma_wait3A_98] : memref<100352x768xf32, #tpu.memory_space<hbm>> -> memref<56x768xf32, #tpu.memory_space<hbm>>
      %dma_wait3A_100 = arith.constant 0 : i32
      %dma_wait3A_101 = arith.constant 0 : i32
      %dma_wait3A_102 = tpu.memref_slice %arg6[%rem3A_86, %dma_wait3A_100, %dma_wait3A_101] : memref<2x56x768xf32, #tpu.memory_space<vmem>> -> memref<1x56x768xf32, #tpu.memory_space<vmem>>
      %dma_wait3A_103 = tpu.memref_squeeze %dma_wait3A_102 : memref<1x56x768xf32, #tpu.memory_space<vmem>> -> memref<56x768xf32, #tpu.memory_space<vmem>>
      %dma_wait3A_104 = arith.constant 0 : i32
      %dma_wait3A_105 = tpu.memref_slice %arg2[%add3A_93, %dma_wait3A_104] : memref<100352x768xf32, #tpu.memory_space<hbm>> -> memref<56x768xf32, #tpu.memory_space<hbm>>
      tpu.wait_dma2 semaphore(%arg8 : memref<!tpu.dma_semaphore, #tpu.memory_space<semaphore_mem>>) src(%dma_wait3A_105 : memref<56x768xf32, #tpu.memory_space<hbm>>) dst(%dma_wait3A_103 : memref<56x768xf32, #tpu.memory_space<vmem>>)
      %ge3A = arith.constant 2 : i32
      %ge3A_106 = arith.cmpi sge, %add3A_85, %ge3A : i32
      %convert_element_type3A_107 = arith.extui %ge3A_106 : i1 to i32
      %cond3A_108 = arith.constant 0 : i32
      %cond3A_109 = arith.cmpi ne, %convert_element_type3A_107, %cond3A_108 : i32
      scf.if %cond3A_109 {
        %sub3A = arith.constant 2 : i32
        %sub3A_130 = arith.subi %add3A_85, %sub3A : i32
        %mul3A_131 = arith.constant 56 : i32
        %mul3A_132 = arith.muli %sub3A_130, %mul3A_131 : i32
        %add3A_133 = arith.addi %mul3A_2, %mul3A_132 : i32
        %dma_wait3A_134 = arith.constant 0 : i32
        %dma_wait3A_135 = arith.constant 0 : i32
        %dma_wait3A_136 = tpu.memref_slice %arg7[%rem3A_86, %dma_wait3A_134, %dma_wait3A_135] : memref<2x56x256xf32, #tpu.memory_space<vmem>> -> memref<1x56x256xf32, #tpu.memory_space<vmem>>
        %dma_wait3A_137 = tpu.memref_squeeze %dma_wait3A_136 : memref<1x56x256xf32, #tpu.memory_space<vmem>> -> memref<56x256xf32, #tpu.memory_space<vmem>>
        %dma_wait3A_138 = arith.constant 0 : i32
        %dma_wait3A_139 = tpu.memref_slice %arg4[%add3A_133, %dma_wait3A_138] : memref<100352x256xf32, #tpu.memory_space<hbm>> -> memref<56x256xf32, #tpu.memory_space<hbm>>
        %dma_wait3A_140 = arith.constant 0 : i32
        %dma_wait3A_141 = tpu.memref_slice %arg4[%add3A_133, %dma_wait3A_140] : memref<100352x256xf32, #tpu.memory_space<hbm>> -> memref<56x256xf32, #tpu.memory_space<hbm>>
        %dma_wait3A_142 = arith.constant 0 : i32
        %dma_wait3A_143 = arith.constant 0 : i32
        %dma_wait3A_144 = tpu.memref_slice %arg7[%rem3A_86, %dma_wait3A_142, %dma_wait3A_143] : memref<2x56x256xf32, #tpu.memory_space<vmem>> -> memref<1x56x256xf32, #tpu.memory_space<vmem>>
        %dma_wait3A_145 = tpu.memref_squeeze %dma_wait3A_144 : memref<1x56x256xf32, #tpu.memory_space<vmem>> -> memref<56x256xf32, #tpu.memory_space<vmem>>
        tpu.wait_dma2 semaphore(%arg9 : memref<!tpu.dma_semaphore, #tpu.memory_space<semaphore_mem>>) src(%dma_wait3A_145 : memref<56x256xf32, #tpu.memory_space<vmem>>) dst(%dma_wait3A_141 : memref<56x256xf32, #tpu.memory_space<hbm>>)
      } else {
      }
      %broadcast_in_dim3A = vector.broadcast %rem3A_86 : i32 to vector<16xi32>
      %scan3A_110 = arith.constant 0 : i32
      %scan3A_111 = arith.constant 56 : i32
      %scan3A_112 = arith.addi %scan3A_110, %scan3A_111 : i32
      %scan3A_113 = arith.constant 4 : i32
      scf.for %scan3A_130 = %scan3A_110 to %scan3A_112 step %scan3A_113  : i32 {
        %mul3A_131 = arith.constant 1 : i32
        %mul3A_132 = arith.muli %scan3A_130, %mul3A_131 : i32
        %add3A_133 = arith.constant 0 : i32
        %add3A_134 = arith.addi %add3A_133, %mul3A_132 : i32
        %broadcast_in_dim3A_135 = vector.broadcast %add3A_134 : i32 to vector<16xi32>
        %gather3A = tpu.vector_load_idx %arg6[%broadcast_in_dim3A, %broadcast_in_dim3A_135, %get3A_3] : memref<2x56x768xf32, #tpu.memory_space<vmem>>[vector<16xi32>, vector<16xi32>, vector<16xi32>], vector<16xf32>,
        %swap3A = arith.index_cast %rem3A_86 : i32 to index
        %swap3A_136 = arith.index_cast %add3A_134 : i32 to index
        %swap3A_137 = arith.constant 0 : index
        %swap3A_138 = tpu.vector_load %arg7[%swap3A, %swap3A_136, %swap3A_137] {strides = array<i32>} : memref<2x56x256xf32, #tpu.memory_space<vmem>>, vector<16xf32>,
        tpu.vector_store %arg7[%swap3A, %swap3A_136, %swap3A_137], %gather3A {strides = array<i32>} : memref<2x56x256xf32, #tpu.memory_space<vmem>>, vector<16xf32>,
        %gather3A_139 = tpu.vector_load_idx %arg6[%broadcast_in_dim3A, %broadcast_in_dim3A_135, %get3A_5] : memref<2x56x768xf32, #tpu.memory_space<vmem>>[vector<16xi32>, vector<16xi32>, vector<16xi32>], vector<16xf32>,
        %swap3A_140 = arith.index_cast %rem3A_86 : i32 to index
        %swap3A_141 = arith.index_cast %add3A_134 : i32 to index
        %swap3A_142 = arith.constant 16 : index
        %swap3A_143 = tpu.vector_load %arg7[%swap3A_140, %swap3A_141, %swap3A_142] {strides = array<i32>} : memref<2x56x256xf32, #tpu.memory_space<vmem>>, vector<16xf32>,
        tpu.vector_store %arg7[%swap3A_140, %swap3A_141, %swap3A_142], %gather3A_139 {strides = array<i32>} : memref<2x56x256xf32, #tpu.memory_space<vmem>>, vector<16xf32>,
        %gather3A_144 = tpu.vector_load_idx %arg6[%broadcast_in_dim3A, %broadcast_in_dim3A_135, %get3A_7] : memref<2x56x768xf32, #tpu.memory_space<vmem>>[vector<16xi32>, vector<16xi32>, vector<16xi32>], vector<16xf32>,
        %swap3A_145 = arith.index_cast %rem3A_86 : i32 to index
        %swap3A_146 = arith.index_cast %add3A_134 : i32 to index
        %swap3A_147 = arith.constant 32 : index
        %swap3A_148 = tpu.vector_load %arg7[%swap3A_145, %swap3A_146, %swap3A_147] {strides = array<i32>} : memref<2x56x256xf32, #tpu.memory_space<vmem>>, vector<16xf32>,
        tpu.vector_store %arg7[%swap3A_145, %swap3A_146, %swap3A_147], %gather3A_144 {strides = array<i32>} : memref<2x56x256xf32, #tpu.memory_space<vmem>>, vector<16xf32>,
        %gather3A_149 = tpu.vector_load_idx %arg6[%broadcast_in_dim3A, %broadcast_in_dim3A_135, %get3A_9] : memref<2x56x768xf32, #tpu.memory_space<vmem>>[vector<16xi32>, vector<16xi32>, vector<16xi32>], vector<16xf32>,
        %swap3A_150 = arith.index_cast %rem3A_86 : i32 to index
        %swap3A_151 = arith.index_cast %add3A_134 : i32 to index
        %swap3A_152 = arith.constant 48 : index
        %swap3A_153 = tpu.vector_load %arg7[%swap3A_150, %swap3A_151, %swap3A_152] {strides = array<i32>} : memref<2x56x256xf32, #tpu.memory_space<vmem>>, vector<16xf32>,
        tpu.vector_store %arg7[%swap3A_150, %swap3A_151, %swap3A_152], %gather3A_149 {strides = array<i32>} : memref<2x56x256xf32, #tpu.memory_space<vmem>>, vector<16xf32>,
        %gather3A_154 = tpu.vector_load_idx %arg6[%broadcast_in_dim3A, %broadcast_in_dim3A_135, %get3A_11] : memref<2x56x768xf32, #tpu.memory_space<vmem>>[vector<16xi32>, vector<16xi32>, vector<16xi32>], vector<16xf32>,
        %swap3A_155 = arith.index_cast %rem3A_86 : i32 to index
        %swap3A_156 = arith.index_cast %add3A_134 : i32 to index
        %swap3A_157 = arith.constant 64 : index
        %swap3A_158 = tpu.vector_load %arg7[%swap3A_155, %swap3A_156, %swap3A_157] {strides = array<i32>} : memref<2x56x256xf32, #tpu.memory_space<vmem>>, vector<16xf32>,
        tpu.vector_store %arg7[%swap3A_155, %swap3A_156, %swap3A_157], %gather3A_154 {strides = array<i32>} : memref<2x56x256xf32, #tpu.memory_space<vmem>>, vector<16xf32>,
        %gather3A_159 = tpu.vector_load_idx %arg6[%broadcast_in_dim3A, %broadcast_in_dim3A_135, %get3A_13] : memref<2x56x768xf32, #tpu.memory_space<vmem>>[vector<16xi32>, vector<16xi32>, vector<16xi32>], vector<16xf32>,
        %swap3A_160 = arith.index_cast %rem3A_86 : i32 to index
        %swap3A_161 = arith.index_cast %add3A_134 : i32 to index
        %swap3A_162 = arith.constant 80 : index
        %swap3A_163 = tpu.vector_load %arg7[%swap3A_160, %swap3A_161, %swap3A_162] {strides = array<i32>} : memref<2x56x256xf32, #tpu.memory_space<vmem>>, vector<16xf32>,
        tpu.vector_store %arg7[%swap3A_160, %swap3A_161, %swap3A_162], %gather3A_159 {strides = array<i32>} : memref<2x56x256xf32, #tpu.memory_space<vmem>>, vector<16xf32>,
        %gather3A_164 = tpu.vector_load_idx %arg6[%broadcast_in_dim3A, %broadcast_in_dim3A_135, %get3A_15] : memref<2x56x768xf32, #tpu.memory_space<vmem>>[vector<16xi32>, vector<16xi32>, vector<16xi32>], vector<16xf32>,
        %swap3A_165 = arith.index_cast %rem3A_86 : i32 to index
        %swap3A_166 = arith.index_cast %add3A_134 : i32 to index
        %swap3A_167 = arith.constant 96 : index
        %swap3A_168 = tpu.vector_load %arg7[%swap3A_165, %swap3A_166, %swap3A_167] {strides = array<i32>} : memref<2x56x256xf32, #tpu.memory_space<vmem>>, vector<16xf32>,
        tpu.vector_store %arg7[%swap3A_165, %swap3A_166, %swap3A_167], %gather3A_164 {strides = array<i32>} : memref<2x56x256xf32, #tpu.memory_space<vmem>>, vector<16xf32>,
        %gather3A_169 = tpu.vector_load_idx %arg6[%broadcast_in_dim3A, %broadcast_in_dim3A_135, %get3A_17] : memref<2x56x768xf32, #tpu.memory_space<vmem>>[vector<16xi32>, vector<16xi32>, vector<16xi32>], vector<16xf32>,
        %swap3A_170 = arith.index_cast %rem3A_86 : i32 to index
        %swap3A_171 = arith.index_cast %add3A_134 : i32 to index
        %swap3A_172 = arith.constant 112 : index
        %swap3A_173 = tpu.vector_load %arg7[%swap3A_170, %swap3A_171, %swap3A_172] {strides = array<i32>} : memref<2x56x256xf32, #tpu.memory_space<vmem>>, vector<16xf32>,
        tpu.vector_store %arg7[%swap3A_170, %swap3A_171, %swap3A_172], %gather3A_169 {strides = array<i32>} : memref<2x56x256xf32, #tpu.memory_space<vmem>>, vector<16xf32>,
        %gather3A_174 = tpu.vector_load_idx %arg6[%broadcast_in_dim3A, %broadcast_in_dim3A_135, %get3A_19] : memref<2x56x768xf32, #tpu.memory_space<vmem>>[vector<16xi32>, vector<16xi32>, vector<16xi32>], vector<16xf32>,
        %swap3A_175 = arith.index_cast %rem3A_86 : i32 to index
        %swap3A_176 = arith.index_cast %add3A_134 : i32 to index
        %swap3A_177 = arith.constant 128 : index
        %swap3A_178 = tpu.vector_load %arg7[%swap3A_175, %swap3A_176, %swap3A_177] {strides = array<i32>} : memref<2x56x256xf32, #tpu.memory_space<vmem>>, vector<16xf32>,
        tpu.vector_store %arg7[%swap3A_175, %swap3A_176, %swap3A_177], %gather3A_174 {strides = array<i32>} : memref<2x56x256xf32, #tpu.memory_space<vmem>>, vector<16xf32>,
        %gather3A_179 = tpu.vector_load_idx %arg6[%broadcast_in_dim3A, %broadcast_in_dim3A_135, %get3A_21] : memref<2x56x768xf32, #tpu.memory_space<vmem>>[vector<16xi32>, vector<16xi32>, vector<16xi32>], vector<16xf32>,
        %swap3A_180 = arith.index_cast %rem3A_86 : i32 to index
        %swap3A_181 = arith.index_cast %add3A_134 : i32 to index
        %swap3A_182 = arith.constant 144 : index
        %swap3A_183 = tpu.vector_load %arg7[%swap3A_180, %swap3A_181, %swap3A_182] {strides = array<i32>} : memref<2x56x256xf32, #tpu.memory_space<vmem>>, vector<16xf32>,
        tpu.vector_store %arg7[%swap3A_180, %swap3A_181, %swap3A_182], %gather3A_179 {strides = array<i32>} : memref<2x56x256xf32, #tpu.memory_space<vmem>>, vector<16xf32>,
        %gather3A_184 = tpu.vector_load_idx %arg6[%broadcast_in_dim3A, %broadcast_in_dim3A_135, %get3A_23] : memref<2x56x768xf32, #tpu.memory_space<vmem>>[vector<16xi32>, vector<16xi32>, vector<16xi32>], vector<16xf32>,
        %swap3A_185 = arith.index_cast %rem3A_86 : i32 to index
        %swap3A_186 = arith.index_cast %add3A_134 : i32 to index
        %swap3A_187 = arith.constant 160 : index
        %swap3A_188 = tpu.vector_load %arg7[%swap3A_185, %swap3A_186, %swap3A_187] {strides = array<i32>} : memref<2x56x256xf32, #tpu.memory_space<vmem>>, vector<16xf32>,
        tpu.vector_store %arg7[%swap3A_185, %swap3A_186, %swap3A_187], %gather3A_184 {strides = array<i32>} : memref<2x56x256xf32, #tpu.memory_space<vmem>>, vector<16xf32>,
        %gather3A_189 = tpu.vector_load_idx %arg6[%broadcast_in_dim3A, %broadcast_in_dim3A_135, %get3A_25] : memref<2x56x768xf32, #tpu.memory_space<vmem>>[vector<16xi32>, vector<16xi32>, vector<16xi32>], vector<16xf32>,
        %swap3A_190 = arith.index_cast %rem3A_86 : i32 to index
        %swap3A_191 = arith.index_cast %add3A_134 : i32 to index
        %swap3A_192 = arith.constant 176 : index
        %swap3A_193 = tpu.vector_load %arg7[%swap3A_190, %swap3A_191, %swap3A_192] {strides = array<i32>} : memref<2x56x256xf32, #tpu.memory_space<vmem>>, vector<16xf32>,
        tpu.vector_store %arg7[%swap3A_190, %swap3A_191, %swap3A_192], %gather3A_189 {strides = array<i32>} : memref<2x56x256xf32, #tpu.memory_space<vmem>>, vector<16xf32>,
        %gather3A_194 = tpu.vector_load_idx %arg6[%broadcast_in_dim3A, %broadcast_in_dim3A_135, %get3A_27] : memref<2x56x768xf32, #tpu.memory_space<vmem>>[vector<16xi32>, vector<16xi32>, vector<16xi32>], vector<16xf32>,
        %swap3A_195 = arith.index_cast %rem3A_86 : i32 to index
        %swap3A_196 = arith.index_cast %add3A_134 : i32 to index
        %swap3A_197 = arith.constant 192 : index
        %swap3A_198 = tpu.vector_load %arg7[%swap3A_195, %swap3A_196, %swap3A_197] {strides = array<i32>} : memref<2x56x256xf32, #tpu.memory_space<vmem>>, vector<16xf32>,
        tpu.vector_store %arg7[%swap3A_195, %swap3A_196, %swap3A_197], %gather3A_194 {strides = array<i32>} : memref<2x56x256xf32, #tpu.memory_space<vmem>>, vector<16xf32>,
        %gather3A_199 = tpu.vector_load_idx %arg6[%broadcast_in_dim3A, %broadcast_in_dim3A_135, %get3A_29] : memref<2x56x768xf32, #tpu.memory_space<vmem>>[vector<16xi32>, vector<16xi32>, vector<16xi32>], vector<16xf32>,
        %swap3A_200 = arith.index_cast %rem3A_86 : i32 to index
        %swap3A_201 = arith.index_cast %add3A_134 : i32 to index
        %swap3A_202 = arith.constant 208 : index
        %swap3A_203 = tpu.vector_load %arg7[%swap3A_200, %swap3A_201, %swap3A_202] {strides = array<i32>} : memref<2x56x256xf32, #tpu.memory_space<vmem>>, vector<16xf32>,
        tpu.vector_store %arg7[%swap3A_200, %swap3A_201, %swap3A_202], %gather3A_199 {strides = array<i32>} : memref<2x56x256xf32, #tpu.memory_space<vmem>>, vector<16xf32>,
        %gather3A_204 = tpu.vector_load_idx %arg6[%broadcast_in_dim3A, %broadcast_in_dim3A_135, %get3A_31] : memref<2x56x768xf32, #tpu.memory_space<vmem>>[vector<16xi32>, vector<16xi32>, vector<16xi32>], vector<16xf32>,
        %swap3A_205 = arith.index_cast %rem3A_86 : i32 to index
        %swap3A_206 = arith.index_cast %add3A_134 : i32 to index
        %swap3A_207 = arith.constant 224 : index
        %swap3A_208 = tpu.vector_load %arg7[%swap3A_205, %swap3A_206, %swap3A_207] {strides = array<i32>} : memref<2x56x256xf32, #tpu.memory_space<vmem>>, vector<16xf32>,
        tpu.vector_store %arg7[%swap3A_205, %swap3A_206, %swap3A_207], %gather3A_204 {strides = array<i32>} : memref<2x56x256xf32, #tpu.memory_space<vmem>>, vector<16xf32>,
        %gather3A_209 = tpu.vector_load_idx %arg6[%broadcast_in_dim3A, %broadcast_in_dim3A_135, %get3A_33] : memref<2x56x768xf32, #tpu.memory_space<vmem>>[vector<16xi32>, vector<16xi32>, vector<16xi32>], vector<16xf32>,
        %swap3A_210 = arith.index_cast %rem3A_86 : i32 to index
        %swap3A_211 = arith.index_cast %add3A_134 : i32 to index
        %swap3A_212 = arith.constant 240 : index
        %swap3A_213 = tpu.vector_load %arg7[%swap3A_210, %swap3A_211, %swap3A_212] {strides = array<i32>} : memref<2x56x256xf32, #tpu.memory_space<vmem>>, vector<16xf32>,
        tpu.vector_store %arg7[%swap3A_210, %swap3A_211, %swap3A_212], %gather3A_209 {strides = array<i32>} : memref<2x56x256xf32, #tpu.memory_space<vmem>>, vector<16xf32>,
        %scan3A_214 = arith.constant 1 : i32
        %scan3A_215 = arith.addi %scan3A_130, %scan3A_214 : i32
        %mul3A_216 = arith.constant 1 : i32
        %mul3A_217 = arith.muli %scan3A_215, %mul3A_216 : i32
        %add3A_218 = arith.constant 0 : i32
        %add3A_219 = arith.addi %add3A_218, %mul3A_217 : i32
        %broadcast_in_dim3A_220 = vector.broadcast %add3A_219 : i32 to vector<16xi32>
        %gather3A_221 = tpu.vector_load_idx %arg6[%broadcast_in_dim3A, %broadcast_in_dim3A_220, %get3A_3] : memref<2x56x768xf32, #tpu.memory_space<vmem>>[vector<16xi32>, vector<16xi32>, vector<16xi32>], vector<16xf32>,
        %swap3A_222 = arith.index_cast %rem3A_86 : i32 to index
        %swap3A_223 = arith.index_cast %add3A_219 : i32 to index
        %swap3A_224 = arith.constant 0 : index
        %swap3A_225 = tpu.vector_load %arg7[%swap3A_222, %swap3A_223, %swap3A_224] {strides = array<i32>} : memref<2x56x256xf32, #tpu.memory_space<vmem>>, vector<16xf32>,
        tpu.vector_store %arg7[%swap3A_222, %swap3A_223, %swap3A_224], %gather3A_221 {strides = array<i32>} : memref<2x56x256xf32, #tpu.memory_space<vmem>>, vector<16xf32>,
        %gather3A_226 = tpu.vector_load_idx %arg6[%broadcast_in_dim3A, %broadcast_in_dim3A_220, %get3A_5] : memref<2x56x768xf32, #tpu.memory_space<vmem>>[vector<16xi32>, vector<16xi32>, vector<16xi32>], vector<16xf32>,
        %swap3A_227 = arith.index_cast %rem3A_86 : i32 to index
        %swap3A_228 = arith.index_cast %add3A_219 : i32 to index
        %swap3A_229 = arith.constant 16 : index
        %swap3A_230 = tpu.vector_load %arg7[%swap3A_227, %swap3A_228, %swap3A_229] {strides = array<i32>} : memref<2x56x256xf32, #tpu.memory_space<vmem>>, vector<16xf32>,
        tpu.vector_store %arg7[%swap3A_227, %swap3A_228, %swap3A_229], %gather3A_226 {strides = array<i32>} : memref<2x56x256xf32, #tpu.memory_space<vmem>>, vector<16xf32>,
        %gather3A_231 = tpu.vector_load_idx %arg6[%broadcast_in_dim3A, %broadcast_in_dim3A_220, %get3A_7] : memref<2x56x768xf32, #tpu.memory_space<vmem>>[vector<16xi32>, vector<16xi32>, vector<16xi32>], vector<16xf32>,
        %swap3A_232 = arith.index_cast %rem3A_86 : i32 to index
        %swap3A_233 = arith.index_cast %add3A_219 : i32 to index
        %swap3A_234 = arith.constant 32 : index
        %swap3A_235 = tpu.vector_load %arg7[%swap3A_232, %swap3A_233, %swap3A_234] {strides = array<i32>} : memref<2x56x256xf32, #tpu.memory_space<vmem>>, vector<16xf32>,
        tpu.vector_store %arg7[%swap3A_232, %swap3A_233, %swap3A_234], %gather3A_231 {strides = array<i32>} : memref<2x56x256xf32, #tpu.memory_space<vmem>>, vector<16xf32>,
        %gather3A_236 = tpu.vector_load_idx %arg6[%broadcast_in_dim3A, %broadcast_in_dim3A_220, %get3A_9] : memref<2x56x768xf32, #tpu.memory_space<vmem>>[vector<16xi32>, vector<16xi32>, vector<16xi32>], vector<16xf32>,
        %swap3A_237 = arith.index_cast %rem3A_86 : i32 to index
        %swap3A_238 = arith.index_cast %add3A_219 : i32 to index
        %swap3A_239 = arith.constant 48 : index
        %swap3A_240 = tpu.vector_load %arg7[%swap3A_237, %swap3A_238, %swap3A_239] {strides = array<i32>} : memref<2x56x256xf32, #tpu.memory_space<vmem>>, vector<16xf32>,
        tpu.vector_store %arg7[%swap3A_237, %swap3A_238, %swap3A_239], %gather3A_236 {strides = array<i32>} : memref<2x56x256xf32, #tpu.memory_space<vmem>>, vector<16xf32>,
        %gather3A_241 = tpu.vector_load_idx %arg6[%broadcast_in_dim3A, %broadcast_in_dim3A_220, %get3A_11] : memref<2x56x768xf32, #tpu.memory_space<vmem>>[vector<16xi32>, vector<16xi32>, vector<16xi32>], vector<16xf32>,
        %swap3A_242 = arith.index_cast %rem3A_86 : i32 to index
        %swap3A_243 = arith.index_cast %add3A_219 : i32 to index
        %swap3A_244 = arith.constant 64 : index
        %swap3A_245 = tpu.vector_load %arg7[%swap3A_242, %swap3A_243, %swap3A_244] {strides = array<i32>} : memref<2x56x256xf32, #tpu.memory_space<vmem>>, vector<16xf32>,
        tpu.vector_store %arg7[%swap3A_242, %swap3A_243, %swap3A_244], %gather3A_241 {strides = array<i32>} : memref<2x56x256xf32, #tpu.memory_space<vmem>>, vector<16xf32>,
        %gather3A_246 = tpu.vector_load_idx %arg6[%broadcast_in_dim3A, %broadcast_in_dim3A_220, %get3A_13] : memref<2x56x768xf32, #tpu.memory_space<vmem>>[vector<16xi32>, vector<16xi32>, vector<16xi32>], vector<16xf32>,
        %swap3A_247 = arith.index_cast %rem3A_86 : i32 to index
        %swap3A_248 = arith.index_cast %add3A_219 : i32 to index
        %swap3A_249 = arith.constant 80 : index
        %swap3A_250 = tpu.vector_load %arg7[%swap3A_247, %swap3A_248, %swap3A_249] {strides = array<i32>} : memref<2x56x256xf32, #tpu.memory_space<vmem>>, vector<16xf32>,
        tpu.vector_store %arg7[%swap3A_247, %swap3A_248, %swap3A_249], %gather3A_246 {strides = array<i32>} : memref<2x56x256xf32, #tpu.memory_space<vmem>>, vector<16xf32>,
        %gather3A_251 = tpu.vector_load_idx %arg6[%broadcast_in_dim3A, %broadcast_in_dim3A_220, %get3A_15] : memref<2x56x768xf32, #tpu.memory_space<vmem>>[vector<16xi32>, vector<16xi32>, vector<16xi32>], vector<16xf32>,
        %swap3A_252 = arith.index_cast %rem3A_86 : i32 to index
        %swap3A_253 = arith.index_cast %add3A_219 : i32 to index
        %swap3A_254 = arith.constant 96 : index
        %swap3A_255 = tpu.vector_load %arg7[%swap3A_252, %swap3A_253, %swap3A_254] {strides = array<i32>} : memref<2x56x256xf32, #tpu.memory_space<vmem>>, vector<16xf32>,
        tpu.vector_store %arg7[%swap3A_252, %swap3A_253, %swap3A_254], %gather3A_251 {strides = array<i32>} : memref<2x56x256xf32, #tpu.memory_space<vmem>>, vector<16xf32>,
        %gather3A_256 = tpu.vector_load_idx %arg6[%broadcast_in_dim3A, %broadcast_in_dim3A_220, %get3A_17] : memref<2x56x768xf32, #tpu.memory_space<vmem>>[vector<16xi32>, vector<16xi32>, vector<16xi32>], vector<16xf32>,
        %swap3A_257 = arith.index_cast %rem3A_86 : i32 to index
        %swap3A_258 = arith.index_cast %add3A_219 : i32 to index
        %swap3A_259 = arith.constant 112 : index
        %swap3A_260 = tpu.vector_load %arg7[%swap3A_257, %swap3A_258, %swap3A_259] {strides = array<i32>} : memref<2x56x256xf32, #tpu.memory_space<vmem>>, vector<16xf32>,
        tpu.vector_store %arg7[%swap3A_257, %swap3A_258, %swap3A_259], %gather3A_256 {strides = array<i32>} : memref<2x56x256xf32, #tpu.memory_space<vmem>>, vector<16xf32>,
        %gather3A_261 = tpu.vector_load_idx %arg6[%broadcast_in_dim3A, %broadcast_in_dim3A_220, %get3A_19] : memref<2x56x768xf32, #tpu.memory_space<vmem>>[vector<16xi32>, vector<16xi32>, vector<16xi32>], vector<16xf32>,
        %swap3A_262 = arith.index_cast %rem3A_86 : i32 to index
        %swap3A_263 = arith.index_cast %add3A_219 : i32 to index
        %swap3A_264 = arith.constant 128 : index
        %swap3A_265 = tpu.vector_load %arg7[%swap3A_262, %swap3A_263, %swap3A_264] {strides = array<i32>} : memref<2x56x256xf32, #tpu.memory_space<vmem>>, vector<16xf32>,
        tpu.vector_store %arg7[%swap3A_262, %swap3A_263, %swap3A_264], %gather3A_261 {strides = array<i32>} : memref<2x56x256xf32, #tpu.memory_space<vmem>>, vector<16xf32>,
        %gather3A_266 = tpu.vector_load_idx %arg6[%broadcast_in_dim3A, %broadcast_in_dim3A_220, %get3A_21] : memref<2x56x768xf32, #tpu.memory_space<vmem>>[vector<16xi32>, vector<16xi32>, vector<16xi32>], vector<16xf32>,
        %swap3A_267 = arith.index_cast %rem3A_86 : i32 to index
        %swap3A_268 = arith.index_cast %add3A_219 : i32 to index
        %swap3A_269 = arith.constant 144 : index
        %swap3A_270 = tpu.vector_load %arg7[%swap3A_267, %swap3A_268, %swap3A_269] {strides = array<i32>} : memref<2x56x256xf32, #tpu.memory_space<vmem>>, vector<16xf32>,
        tpu.vector_store %arg7[%swap3A_267, %swap3A_268, %swap3A_269], %gather3A_266 {strides = array<i32>} : memref<2x56x256xf32, #tpu.memory_space<vmem>>, vector<16xf32>,
        %gather3A_271 = tpu.vector_load_idx %arg6[%broadcast_in_dim3A, %broadcast_in_dim3A_220, %get3A_23] : memref<2x56x768xf32, #tpu.memory_space<vmem>>[vector<16xi32>, vector<16xi32>, vector<16xi32>], vector<16xf32>,
        %swap3A_272 = arith.index_cast %rem3A_86 : i32 to index
        %swap3A_273 = arith.index_cast %add3A_219 : i32 to index
        %swap3A_274 = arith.constant 160 : index
        %swap3A_275 = tpu.vector_load %arg7[%swap3A_272, %swap3A_273, %swap3A_274] {strides = array<i32>} : memref<2x56x256xf32, #tpu.memory_space<vmem>>, vector<16xf32>,
        tpu.vector_store %arg7[%swap3A_272, %swap3A_273, %swap3A_274], %gather3A_271 {strides = array<i32>} : memref<2x56x256xf32, #tpu.memory_space<vmem>>, vector<16xf32>,
        %gather3A_276 = tpu.vector_load_idx %arg6[%broadcast_in_dim3A, %broadcast_in_dim3A_220, %get3A_25] : memref<2x56x768xf32, #tpu.memory_space<vmem>>[vector<16xi32>, vector<16xi32>, vector<16xi32>], vector<16xf32>,
        %swap3A_277 = arith.index_cast %rem3A_86 : i32 to index
        %swap3A_278 = arith.index_cast %add3A_219 : i32 to index
        %swap3A_279 = arith.constant 176 : index
        %swap3A_280 = tpu.vector_load %arg7[%swap3A_277, %swap3A_278, %swap3A_279] {strides = array<i32>} : memref<2x56x256xf32, #tpu.memory_space<vmem>>, vector<16xf32>,
        tpu.vector_store %arg7[%swap3A_277, %swap3A_278, %swap3A_279], %gather3A_276 {strides = array<i32>} : memref<2x56x256xf32, #tpu.memory_space<vmem>>, vector<16xf32>,
        %gather3A_281 = tpu.vector_load_idx %arg6[%broadcast_in_dim3A, %broadcast_in_dim3A_220, %get3A_27] : memref<2x56x768xf32, #tpu.memory_space<vmem>>[vector<16xi32>, vector<16xi32>, vector<16xi32>], vector<16xf32>,
        %swap3A_282 = arith.index_cast %rem3A_86 : i32 to index
        %swap3A_283 = arith.index_cast %add3A_219 : i32 to index
        %swap3A_284 = arith.constant 192 : index
        %swap3A_285 = tpu.vector_load %arg7[%swap3A_282, %swap3A_283, %swap3A_284] {strides = array<i32>} : memref<2x56x256xf32, #tpu.memory_space<vmem>>, vector<16xf32>,
        tpu.vector_store %arg7[%swap3A_282, %swap3A_283, %swap3A_284], %gather3A_281 {strides = array<i32>} : memref<2x56x256xf32, #tpu.memory_space<vmem>>, vector<16xf32>,
        %gather3A_286 = tpu.vector_load_idx %arg6[%broadcast_in_dim3A, %broadcast_in_dim3A_220, %get3A_29] : memref<2x56x768xf32, #tpu.memory_space<vmem>>[vector<16xi32>, vector<16xi32>, vector<16xi32>], vector<16xf32>,
        %swap3A_287 = arith.index_cast %rem3A_86 : i32 to index
        %swap3A_288 = arith.index_cast %add3A_219 : i32 to index
        %swap3A_289 = arith.constant 208 : index
        %swap3A_290 = tpu.vector_load %arg7[%swap3A_287, %swap3A_288, %swap3A_289] {strides = array<i32>} : memref<2x56x256xf32, #tpu.memory_space<vmem>>, vector<16xf32>,
        tpu.vector_store %arg7[%swap3A_287, %swap3A_288, %swap3A_289], %gather3A_286 {strides = array<i32>} : memref<2x56x256xf32, #tpu.memory_space<vmem>>, vector<16xf32>,
        %gather3A_291 = tpu.vector_load_idx %arg6[%broadcast_in_dim3A, %broadcast_in_dim3A_220, %get3A_31] : memref<2x56x768xf32, #tpu.memory_space<vmem>>[vector<16xi32>, vector<16xi32>, vector<16xi32>], vector<16xf32>,
        %swap3A_292 = arith.index_cast %rem3A_86 : i32 to index
        %swap3A_293 = arith.index_cast %add3A_219 : i32 to index
        %swap3A_294 = arith.constant 224 : index
        %swap3A_295 = tpu.vector_load %arg7[%swap3A_292, %swap3A_293, %swap3A_294] {strides = array<i32>} : memref<2x56x256xf32, #tpu.memory_space<vmem>>, vector<16xf32>,
        tpu.vector_store %arg7[%swap3A_292, %swap3A_293, %swap3A_294], %gather3A_291 {strides = array<i32>} : memref<2x56x256xf32, #tpu.memory_space<vmem>>, vector<16xf32>,
        %gather3A_296 = tpu.vector_load_idx %arg6[%broadcast_in_dim3A, %broadcast_in_dim3A_220, %get3A_33] : memref<2x56x768xf32, #tpu.memory_space<vmem>>[vector<16xi32>, vector<16xi32>, vector<16xi32>], vector<16xf32>,
        %swap3A_297 = arith.index_cast %rem3A_86 : i32 to index
        %swap3A_298 = arith.index_cast %add3A_219 : i32 to index
        %swap3A_299 = arith.constant 240 : index
        %swap3A_300 = tpu.vector_load %arg7[%swap3A_297, %swap3A_298, %swap3A_299] {strides = array<i32>} : memref<2x56x256xf32, #tpu.memory_space<vmem>>, vector<16xf32>,
        tpu.vector_store %arg7[%swap3A_297, %swap3A_298, %swap3A_299], %gather3A_296 {strides = array<i32>} : memref<2x56x256xf32, #tpu.memory_space<vmem>>, vector<16xf32>,
        %scan3A_301 = arith.constant 2 : i32
        %scan3A_302 = arith.addi %scan3A_130, %scan3A_301 : i32
        %mul3A_303 = arith.constant 1 : i32
        %mul3A_304 = arith.muli %scan3A_302, %mul3A_303 : i32
        %add3A_305 = arith.constant 0 : i32
        %add3A_306 = arith.addi %add3A_305, %mul3A_304 : i32
        %broadcast_in_dim3A_307 = vector.broadcast %add3A_306 : i32 to vector<16xi32>
        %gather3A_308 = tpu.vector_load_idx %arg6[%broadcast_in_dim3A, %broadcast_in_dim3A_307, %get3A_3] : memref<2x56x768xf32, #tpu.memory_space<vmem>>[vector<16xi32>, vector<16xi32>, vector<16xi32>], vector<16xf32>,
        %swap3A_309 = arith.index_cast %rem3A_86 : i32 to index
        %swap3A_310 = arith.index_cast %add3A_306 : i32 to index
        %swap3A_311 = arith.constant 0 : index
        %swap3A_312 = tpu.vector_load %arg7[%swap3A_309, %swap3A_310, %swap3A_311] {strides = array<i32>} : memref<2x56x256xf32, #tpu.memory_space<vmem>>, vector<16xf32>,
        tpu.vector_store %arg7[%swap3A_309, %swap3A_310, %swap3A_311], %gather3A_308 {strides = array<i32>} : memref<2x56x256xf32, #tpu.memory_space<vmem>>, vector<16xf32>,
        %gather3A_313 = tpu.vector_load_idx %arg6[%broadcast_in_dim3A, %broadcast_in_dim3A_307, %get3A_5] : memref<2x56x768xf32, #tpu.memory_space<vmem>>[vector<16xi32>, vector<16xi32>, vector<16xi32>], vector<16xf32>,
        %swap3A_314 = arith.index_cast %rem3A_86 : i32 to index
        %swap3A_315 = arith.index_cast %add3A_306 : i32 to index
        %swap3A_316 = arith.constant 16 : index
        %swap3A_317 = tpu.vector_load %arg7[%swap3A_314, %swap3A_315, %swap3A_316] {strides = array<i32>} : memref<2x56x256xf32, #tpu.memory_space<vmem>>, vector<16xf32>,
        tpu.vector_store %arg7[%swap3A_314, %swap3A_315, %swap3A_316], %gather3A_313 {strides = array<i32>} : memref<2x56x256xf32, #tpu.memory_space<vmem>>, vector<16xf32>,
        %gather3A_318 = tpu.vector_load_idx %arg6[%broadcast_in_dim3A, %broadcast_in_dim3A_307, %get3A_7] : memref<2x56x768xf32, #tpu.memory_space<vmem>>[vector<16xi32>, vector<16xi32>, vector<16xi32>], vector<16xf32>,
        %swap3A_319 = arith.index_cast %rem3A_86 : i32 to index
        %swap3A_320 = arith.index_cast %add3A_306 : i32 to index
        %swap3A_321 = arith.constant 32 : index
        %swap3A_322 = tpu.vector_load %arg7[%swap3A_319, %swap3A_320, %swap3A_321] {strides = array<i32>} : memref<2x56x256xf32, #tpu.memory_space<vmem>>, vector<16xf32>,
        tpu.vector_store %arg7[%swap3A_319, %swap3A_320, %swap3A_321], %gather3A_318 {strides = array<i32>} : memref<2x56x256xf32, #tpu.memory_space<vmem>>, vector<16xf32>,
        %gather3A_323 = tpu.vector_load_idx %arg6[%broadcast_in_dim3A, %broadcast_in_dim3A_307, %get3A_9] : memref<2x56x768xf32, #tpu.memory_space<vmem>>[vector<16xi32>, vector<16xi32>, vector<16xi32>], vector<16xf32>,
        %swap3A_324 = arith.index_cast %rem3A_86 : i32 to index
        %swap3A_325 = arith.index_cast %add3A_306 : i32 to index
        %swap3A_326 = arith.constant 48 : index
        %swap3A_327 = tpu.vector_load %arg7[%swap3A_324, %swap3A_325, %swap3A_326] {strides = array<i32>} : memref<2x56x256xf32, #tpu.memory_space<vmem>>, vector<16xf32>,
        tpu.vector_store %arg7[%swap3A_324, %swap3A_325, %swap3A_326], %gather3A_323 {strides = array<i32>} : memref<2x56x256xf32, #tpu.memory_space<vmem>>, vector<16xf32>,
        %gather3A_328 = tpu.vector_load_idx %arg6[%broadcast_in_dim3A, %broadcast_in_dim3A_307, %get3A_11] : memref<2x56x768xf32, #tpu.memory_space<vmem>>[vector<16xi32>, vector<16xi32>, vector<16xi32>], vector<16xf32>,
        %swap3A_329 = arith.index_cast %rem3A_86 : i32 to index
        %swap3A_330 = arith.index_cast %add3A_306 : i32 to index
        %swap3A_331 = arith.constant 64 : index
        %swap3A_332 = tpu.vector_load %arg7[%swap3A_329, %swap3A_330, %swap3A_331] {strides = array<i32>} : memref<2x56x256xf32, #tpu.memory_space<vmem>>, vector<16xf32>,
        tpu.vector_store %arg7[%swap3A_329, %swap3A_330, %swap3A_331], %gather3A_328 {strides = array<i32>} : memref<2x56x256xf32, #tpu.memory_space<vmem>>, vector<16xf32>,
        %gather3A_333 = tpu.vector_load_idx %arg6[%broadcast_in_dim3A, %broadcast_in_dim3A_307, %get3A_13] : memref<2x56x768xf32, #tpu.memory_space<vmem>>[vector<16xi32>, vector<16xi32>, vector<16xi32>], vector<16xf32>,
        %swap3A_334 = arith.index_cast %rem3A_86 : i32 to index
        %swap3A_335 = arith.index_cast %add3A_306 : i32 to index
        %swap3A_336 = arith.constant 80 : index
        %swap3A_337 = tpu.vector_load %arg7[%swap3A_334, %swap3A_335, %swap3A_336] {strides = array<i32>} : memref<2x56x256xf32, #tpu.memory_space<vmem>>, vector<16xf32>,
        tpu.vector_store %arg7[%swap3A_334, %swap3A_335, %swap3A_336], %gather3A_333 {strides = array<i32>} : memref<2x56x256xf32, #tpu.memory_space<vmem>>, vector<16xf32>,
        %gather3A_338 = tpu.vector_load_idx %arg6[%broadcast_in_dim3A, %broadcast_in_dim3A_307, %get3A_15] : memref<2x56x768xf32, #tpu.memory_space<vmem>>[vector<16xi32>, vector<16xi32>, vector<16xi32>], vector<16xf32>,
        %swap3A_339 = arith.index_cast %rem3A_86 : i32 to index
        %swap3A_340 = arith.index_cast %add3A_306 : i32 to index
        %swap3A_341 = arith.constant 96 : index
        %swap3A_342 = tpu.vector_load %arg7[%swap3A_339, %swap3A_340, %swap3A_341] {strides = array<i32>} : memref<2x56x256xf32, #tpu.memory_space<vmem>>, vector<16xf32>,
        tpu.vector_store %arg7[%swap3A_339, %swap3A_340, %swap3A_341], %gather3A_338 {strides = array<i32>} : memref<2x56x256xf32, #tpu.memory_space<vmem>>, vector<16xf32>,
        %gather3A_343 = tpu.vector_load_idx %arg6[%broadcast_in_dim3A, %broadcast_in_dim3A_307, %get3A_17] : memref<2x56x768xf32, #tpu.memory_space<vmem>>[vector<16xi32>, vector<16xi32>, vector<16xi32>], vector<16xf32>,
        %swap3A_344 = arith.index_cast %rem3A_86 : i32 to index
        %swap3A_345 = arith.index_cast %add3A_306 : i32 to index
        %swap3A_346 = arith.constant 112 : index
        %swap3A_347 = tpu.vector_load %arg7[%swap3A_344, %swap3A_345, %swap3A_346] {strides = array<i32>} : memref<2x56x256xf32, #tpu.memory_space<vmem>>, vector<16xf32>,
        tpu.vector_store %arg7[%swap3A_344, %swap3A_345, %swap3A_346], %gather3A_343 {strides = array<i32>} : memref<2x56x256xf32, #tpu.memory_space<vmem>>, vector<16xf32>,
        %gather3A_348 = tpu.vector_load_idx %arg6[%broadcast_in_dim3A, %broadcast_in_dim3A_307, %get3A_19] : memref<2x56x768xf32, #tpu.memory_space<vmem>>[vector<16xi32>, vector<16xi32>, vector<16xi32>], vector<16xf32>,
        %swap3A_349 = arith.index_cast %rem3A_86 : i32 to index
        %swap3A_350 = arith.index_cast %add3A_306 : i32 to index
        %swap3A_351 = arith.constant 128 : index
        %swap3A_352 = tpu.vector_load %arg7[%swap3A_349, %swap3A_350, %swap3A_351] {strides = array<i32>} : memref<2x56x256xf32, #tpu.memory_space<vmem>>, vector<16xf32>,
        tpu.vector_store %arg7[%swap3A_349, %swap3A_350, %swap3A_351], %gather3A_348 {strides = array<i32>} : memref<2x56x256xf32, #tpu.memory_space<vmem>>, vector<16xf32>,
        %gather3A_353 = tpu.vector_load_idx %arg6[%broadcast_in_dim3A, %broadcast_in_dim3A_307, %get3A_21] : memref<2x56x768xf32, #tpu.memory_space<vmem>>[vector<16xi32>, vector<16xi32>, vector<16xi32>], vector<16xf32>,
        %swap3A_354 = arith.index_cast %rem3A_86 : i32 to index
        %swap3A_355 = arith.index_cast %add3A_306 : i32 to index
        %swap3A_356 = arith.constant 144 : index
        %swap3A_357 = tpu.vector_load %arg7[%swap3A_354, %swap3A_355, %swap3A_356] {strides = array<i32>} : memref<2x56x256xf32, #tpu.memory_space<vmem>>, vector<16xf32>,
        tpu.vector_store %arg7[%swap3A_354, %swap3A_355, %swap3A_356], %gather3A_353 {strides = array<i32>} : memref<2x56x256xf32, #tpu.memory_space<vmem>>, vector<16xf32>,
        %gather3A_358 = tpu.vector_load_idx %arg6[%broadcast_in_dim3A, %broadcast_in_dim3A_307, %get3A_23] : memref<2x56x768xf32, #tpu.memory_space<vmem>>[vector<16xi32>, vector<16xi32>, vector<16xi32>], vector<16xf32>,
        %swap3A_359 = arith.index_cast %rem3A_86 : i32 to index
        %swap3A_360 = arith.index_cast %add3A_306 : i32 to index
        %swap3A_361 = arith.constant 160 : index
        %swap3A_362 = tpu.vector_load %arg7[%swap3A_359, %swap3A_360, %swap3A_361] {strides = array<i32>} : memref<2x56x256xf32, #tpu.memory_space<vmem>>, vector<16xf32>,
        tpu.vector_store %arg7[%swap3A_359, %swap3A_360, %swap3A_361], %gather3A_358 {strides = array<i32>} : memref<2x56x256xf32, #tpu.memory_space<vmem>>, vector<16xf32>,
        %gather3A_363 = tpu.vector_load_idx %arg6[%broadcast_in_dim3A, %broadcast_in_dim3A_307, %get3A_25] : memref<2x56x768xf32, #tpu.memory_space<vmem>>[vector<16xi32>, vector<16xi32>, vector<16xi32>], vector<16xf32>,
        %swap3A_364 = arith.index_cast %rem3A_86 : i32 to index
        %swap3A_365 = arith.index_cast %add3A_306 : i32 to index
        %swap3A_366 = arith.constant 176 : index
        %swap3A_367 = tpu.vector_load %arg7[%swap3A_364, %swap3A_365, %swap3A_366] {strides = array<i32>} : memref<2x56x256xf32, #tpu.memory_space<vmem>>, vector<16xf32>,
        tpu.vector_store %arg7[%swap3A_364, %swap3A_365, %swap3A_366], %gather3A_363 {strides = array<i32>} : memref<2x56x256xf32, #tpu.memory_space<vmem>>, vector<16xf32>,
        %gather3A_368 = tpu.vector_load_idx %arg6[%broadcast_in_dim3A, %broadcast_in_dim3A_307, %get3A_27] : memref<2x56x768xf32, #tpu.memory_space<vmem>>[vector<16xi32>, vector<16xi32>, vector<16xi32>], vector<16xf32>,
        %swap3A_369 = arith.index_cast %rem3A_86 : i32 to index
        %swap3A_370 = arith.index_cast %add3A_306 : i32 to index
        %swap3A_371 = arith.constant 192 : index
        %swap3A_372 = tpu.vector_load %arg7[%swap3A_369, %swap3A_370, %swap3A_371] {strides = array<i32>} : memref<2x56x256xf32, #tpu.memory_space<vmem>>, vector<16xf32>,
        tpu.vector_store %arg7[%swap3A_369, %swap3A_370, %swap3A_371], %gather3A_368 {strides = array<i32>} : memref<2x56x256xf32, #tpu.memory_space<vmem>>, vector<16xf32>,
        %gather3A_373 = tpu.vector_load_idx %arg6[%broadcast_in_dim3A, %broadcast_in_dim3A_307, %get3A_29] : memref<2x56x768xf32, #tpu.memory_space<vmem>>[vector<16xi32>, vector<16xi32>, vector<16xi32>], vector<16xf32>,
        %swap3A_374 = arith.index_cast %rem3A_86 : i32 to index
        %swap3A_375 = arith.index_cast %add3A_306 : i32 to index
        %swap3A_376 = arith.constant 208 : index
        %swap3A_377 = tpu.vector_load %arg7[%swap3A_374, %swap3A_375, %swap3A_376] {strides = array<i32>} : memref<2x56x256xf32, #tpu.memory_space<vmem>>, vector<16xf32>,
        tpu.vector_store %arg7[%swap3A_374, %swap3A_375, %swap3A_376], %gather3A_373 {strides = array<i32>} : memref<2x56x256xf32, #tpu.memory_space<vmem>>, vector<16xf32>,
        %gather3A_378 = tpu.vector_load_idx %arg6[%broadcast_in_dim3A, %broadcast_in_dim3A_307, %get3A_31] : memref<2x56x768xf32, #tpu.memory_space<vmem>>[vector<16xi32>, vector<16xi32>, vector<16xi32>], vector<16xf32>,
        %swap3A_379 = arith.index_cast %rem3A_86 : i32 to index
        %swap3A_380 = arith.index_cast %add3A_306 : i32 to index
        %swap3A_381 = arith.constant 224 : index
        %swap3A_382 = tpu.vector_load %arg7[%swap3A_379, %swap3A_380, %swap3A_381] {strides = array<i32>} : memref<2x56x256xf32, #tpu.memory_space<vmem>>, vector<16xf32>,
        tpu.vector_store %arg7[%swap3A_379, %swap3A_380, %swap3A_381], %gather3A_378 {strides = array<i32>} : memref<2x56x256xf32, #tpu.memory_space<vmem>>, vector<16xf32>,
        %gather3A_383 = tpu.vector_load_idx %arg6[%broadcast_in_dim3A, %broadcast_in_dim3A_307, %get3A_33] : memref<2x56x768xf32, #tpu.memory_space<vmem>>[vector<16xi32>, vector<16xi32>, vector<16xi32>], vector<16xf32>,
        %swap3A_384 = arith.index_cast %rem3A_86 : i32 to index
        %swap3A_385 = arith.index_cast %add3A_306 : i32 to index
        %swap3A_386 = arith.constant 240 : index
        %swap3A_387 = tpu.vector_load %arg7[%swap3A_384, %swap3A_385, %swap3A_386] {strides = array<i32>} : memref<2x56x256xf32, #tpu.memory_space<vmem>>, vector<16xf32>,
        tpu.vector_store %arg7[%swap3A_384, %swap3A_385, %swap3A_386], %gather3A_383 {strides = array<i32>} : memref<2x56x256xf32, #tpu.memory_space<vmem>>, vector<16xf32>,
        %scan3A_388 = arith.constant 3 : i32
        %scan3A_389 = arith.addi %scan3A_130, %scan3A_388 : i32
        %mul3A_390 = arith.constant 1 : i32
        %mul3A_391 = arith.muli %scan3A_389, %mul3A_390 : i32
        %add3A_392 = arith.constant 0 : i32
        %add3A_393 = arith.addi %add3A_392, %mul3A_391 : i32
        %broadcast_in_dim3A_394 = vector.broadcast %add3A_393 : i32 to vector<16xi32>
        %gather3A_395 = tpu.vector_load_idx %arg6[%broadcast_in_dim3A, %broadcast_in_dim3A_394, %get3A_3] : memref<2x56x768xf32, #tpu.memory_space<vmem>>[vector<16xi32>, vector<16xi32>, vector<16xi32>], vector<16xf32>,
        %swap3A_396 = arith.index_cast %rem3A_86 : i32 to index
        %swap3A_397 = arith.index_cast %add3A_393 : i32 to index
        %swap3A_398 = arith.constant 0 : index
        %swap3A_399 = tpu.vector_load %arg7[%swap3A_396, %swap3A_397, %swap3A_398] {strides = array<i32>} : memref<2x56x256xf32, #tpu.memory_space<vmem>>, vector<16xf32>,
        tpu.vector_store %arg7[%swap3A_396, %swap3A_397, %swap3A_398], %gather3A_395 {strides = array<i32>} : memref<2x56x256xf32, #tpu.memory_space<vmem>>, vector<16xf32>,
        %gather3A_400 = tpu.vector_load_idx %arg6[%broadcast_in_dim3A, %broadcast_in_dim3A_394, %get3A_5] : memref<2x56x768xf32, #tpu.memory_space<vmem>>[vector<16xi32>, vector<16xi32>, vector<16xi32>], vector<16xf32>,
        %swap3A_401 = arith.index_cast %rem3A_86 : i32 to index
        %swap3A_402 = arith.index_cast %add3A_393 : i32 to index
        %swap3A_403 = arith.constant 16 : index
        %swap3A_404 = tpu.vector_load %arg7[%swap3A_401, %swap3A_402, %swap3A_403] {strides = array<i32>} : memref<2x56x256xf32, #tpu.memory_space<vmem>>, vector<16xf32>,
        tpu.vector_store %arg7[%swap3A_401, %swap3A_402, %swap3A_403], %gather3A_400 {strides = array<i32>} : memref<2x56x256xf32, #tpu.memory_space<vmem>>, vector<16xf32>,
        %gather3A_405 = tpu.vector_load_idx %arg6[%broadcast_in_dim3A, %broadcast_in_dim3A_394, %get3A_7] : memref<2x56x768xf32, #tpu.memory_space<vmem>>[vector<16xi32>, vector<16xi32>, vector<16xi32>], vector<16xf32>,
        %swap3A_406 = arith.index_cast %rem3A_86 : i32 to index
        %swap3A_407 = arith.index_cast %add3A_393 : i32 to index
        %swap3A_408 = arith.constant 32 : index
        %swap3A_409 = tpu.vector_load %arg7[%swap3A_406, %swap3A_407, %swap3A_408] {strides = array<i32>} : memref<2x56x256xf32, #tpu.memory_space<vmem>>, vector<16xf32>,
        tpu.vector_store %arg7[%swap3A_406, %swap3A_407, %swap3A_408], %gather3A_405 {strides = array<i32>} : memref<2x56x256xf32, #tpu.memory_space<vmem>>, vector<16xf32>,
        %gather3A_410 = tpu.vector_load_idx %arg6[%broadcast_in_dim3A, %broadcast_in_dim3A_394, %get3A_9] : memref<2x56x768xf32, #tpu.memory_space<vmem>>[vector<16xi32>, vector<16xi32>, vector<16xi32>], vector<16xf32>,
        %swap3A_411 = arith.index_cast %rem3A_86 : i32 to index
        %swap3A_412 = arith.index_cast %add3A_393 : i32 to index
        %swap3A_413 = arith.constant 48 : index
        %swap3A_414 = tpu.vector_load %arg7[%swap3A_411, %swap3A_412, %swap3A_413] {strides = array<i32>} : memref<2x56x256xf32, #tpu.memory_space<vmem>>, vector<16xf32>,
        tpu.vector_store %arg7[%swap3A_411, %swap3A_412, %swap3A_413], %gather3A_410 {strides = array<i32>} : memref<2x56x256xf32, #tpu.memory_space<vmem>>, vector<16xf32>,
        %gather3A_415 = tpu.vector_load_idx %arg6[%broadcast_in_dim3A, %broadcast_in_dim3A_394, %get3A_11] : memref<2x56x768xf32, #tpu.memory_space<vmem>>[vector<16xi32>, vector<16xi32>, vector<16xi32>], vector<16xf32>,
        %swap3A_416 = arith.index_cast %rem3A_86 : i32 to index
        %swap3A_417 = arith.index_cast %add3A_393 : i32 to index
        %swap3A_418 = arith.constant 64 : index
        %swap3A_419 = tpu.vector_load %arg7[%swap3A_416, %swap3A_417, %swap3A_418] {strides = array<i32>} : memref<2x56x256xf32, #tpu.memory_space<vmem>>, vector<16xf32>,
        tpu.vector_store %arg7[%swap3A_416, %swap3A_417, %swap3A_418], %gather3A_415 {strides = array<i32>} : memref<2x56x256xf32, #tpu.memory_space<vmem>>, vector<16xf32>,
        %gather3A_420 = tpu.vector_load_idx %arg6[%broadcast_in_dim3A, %broadcast_in_dim3A_394, %get3A_13] : memref<2x56x768xf32, #tpu.memory_space<vmem>>[vector<16xi32>, vector<16xi32>, vector<16xi32>], vector<16xf32>,
        %swap3A_421 = arith.index_cast %rem3A_86 : i32 to index
        %swap3A_422 = arith.index_cast %add3A_393 : i32 to index
        %swap3A_423 = arith.constant 80 : index
        %swap3A_424 = tpu.vector_load %arg7[%swap3A_421, %swap3A_422, %swap3A_423] {strides = array<i32>} : memref<2x56x256xf32, #tpu.memory_space<vmem>>, vector<16xf32>,
        tpu.vector_store %arg7[%swap3A_421, %swap3A_422, %swap3A_423], %gather3A_420 {strides = array<i32>} : memref<2x56x256xf32, #tpu.memory_space<vmem>>, vector<16xf32>,
        %gather3A_425 = tpu.vector_load_idx %arg6[%broadcast_in_dim3A, %broadcast_in_dim3A_394, %get3A_15] : memref<2x56x768xf32, #tpu.memory_space<vmem>>[vector<16xi32>, vector<16xi32>, vector<16xi32>], vector<16xf32>,
        %swap3A_426 = arith.index_cast %rem3A_86 : i32 to index
        %swap3A_427 = arith.index_cast %add3A_393 : i32 to index
        %swap3A_428 = arith.constant 96 : index
        %swap3A_429 = tpu.vector_load %arg7[%swap3A_426, %swap3A_427, %swap3A_428] {strides = array<i32>} : memref<2x56x256xf32, #tpu.memory_space<vmem>>, vector<16xf32>,
        tpu.vector_store %arg7[%swap3A_426, %swap3A_427, %swap3A_428], %gather3A_425 {strides = array<i32>} : memref<2x56x256xf32, #tpu.memory_space<vmem>>, vector<16xf32>,
        %gather3A_430 = tpu.vector_load_idx %arg6[%broadcast_in_dim3A, %broadcast_in_dim3A_394, %get3A_17] : memref<2x56x768xf32, #tpu.memory_space<vmem>>[vector<16xi32>, vector<16xi32>, vector<16xi32>], vector<16xf32>,
        %swap3A_431 = arith.index_cast %rem3A_86 : i32 to index
        %swap3A_432 = arith.index_cast %add3A_393 : i32 to index
        %swap3A_433 = arith.constant 112 : index
        %swap3A_434 = tpu.vector_load %arg7[%swap3A_431, %swap3A_432, %swap3A_433] {strides = array<i32>} : memref<2x56x256xf32, #tpu.memory_space<vmem>>, vector<16xf32>,
        tpu.vector_store %arg7[%swap3A_431, %swap3A_432, %swap3A_433], %gather3A_430 {strides = array<i32>} : memref<2x56x256xf32, #tpu.memory_space<vmem>>, vector<16xf32>,
        %gather3A_435 = tpu.vector_load_idx %arg6[%broadcast_in_dim3A, %broadcast_in_dim3A_394, %get3A_19] : memref<2x56x768xf32, #tpu.memory_space<vmem>>[vector<16xi32>, vector<16xi32>, vector<16xi32>], vector<16xf32>,
        %swap3A_436 = arith.index_cast %rem3A_86 : i32 to index
        %swap3A_437 = arith.index_cast %add3A_393 : i32 to index
        %swap3A_438 = arith.constant 128 : index
        %swap3A_439 = tpu.vector_load %arg7[%swap3A_436, %swap3A_437, %swap3A_438] {strides = array<i32>} : memref<2x56x256xf32, #tpu.memory_space<vmem>>, vector<16xf32>,
        tpu.vector_store %arg7[%swap3A_436, %swap3A_437, %swap3A_438], %gather3A_435 {strides = array<i32>} : memref<2x56x256xf32, #tpu.memory_space<vmem>>, vector<16xf32>,
        %gather3A_440 = tpu.vector_load_idx %arg6[%broadcast_in_dim3A, %broadcast_in_dim3A_394, %get3A_21] : memref<2x56x768xf32, #tpu.memory_space<vmem>>[vector<16xi32>, vector<16xi32>, vector<16xi32>], vector<16xf32>,
        %swap3A_441 = arith.index_cast %rem3A_86 : i32 to index
        %swap3A_442 = arith.index_cast %add3A_393 : i32 to index
        %swap3A_443 = arith.constant 144 : index
        %swap3A_444 = tpu.vector_load %arg7[%swap3A_441, %swap3A_442, %swap3A_443] {strides = array<i32>} : memref<2x56x256xf32, #tpu.memory_space<vmem>>, vector<16xf32>,
        tpu.vector_store %arg7[%swap3A_441, %swap3A_442, %swap3A_443], %gather3A_440 {strides = array<i32>} : memref<2x56x256xf32, #tpu.memory_space<vmem>>, vector<16xf32>,
        %gather3A_445 = tpu.vector_load_idx %arg6[%broadcast_in_dim3A, %broadcast_in_dim3A_394, %get3A_23] : memref<2x56x768xf32, #tpu.memory_space<vmem>>[vector<16xi32>, vector<16xi32>, vector<16xi32>], vector<16xf32>,
        %swap3A_446 = arith.index_cast %rem3A_86 : i32 to index
        %swap3A_447 = arith.index_cast %add3A_393 : i32 to index
        %swap3A_448 = arith.constant 160 : index
        %swap3A_449 = tpu.vector_load %arg7[%swap3A_446, %swap3A_447, %swap3A_448] {strides = array<i32>} : memref<2x56x256xf32, #tpu.memory_space<vmem>>, vector<16xf32>,
        tpu.vector_store %arg7[%swap3A_446, %swap3A_447, %swap3A_448], %gather3A_445 {strides = array<i32>} : memref<2x56x256xf32, #tpu.memory_space<vmem>>, vector<16xf32>,
        %gather3A_450 = tpu.vector_load_idx %arg6[%broadcast_in_dim3A, %broadcast_in_dim3A_394, %get3A_25] : memref<2x56x768xf32, #tpu.memory_space<vmem>>[vector<16xi32>, vector<16xi32>, vector<16xi32>], vector<16xf32>,
        %swap3A_451 = arith.index_cast %rem3A_86 : i32 to index
        %swap3A_452 = arith.index_cast %add3A_393 : i32 to index
        %swap3A_453 = arith.constant 176 : index
        %swap3A_454 = tpu.vector_load %arg7[%swap3A_451, %swap3A_452, %swap3A_453] {strides = array<i32>} : memref<2x56x256xf32, #tpu.memory_space<vmem>>, vector<16xf32>,
        tpu.vector_store %arg7[%swap3A_451, %swap3A_452, %swap3A_453], %gather3A_450 {strides = array<i32>} : memref<2x56x256xf32, #tpu.memory_space<vmem>>, vector<16xf32>,
        %gather3A_455 = tpu.vector_load_idx %arg6[%broadcast_in_dim3A, %broadcast_in_dim3A_394, %get3A_27] : memref<2x56x768xf32, #tpu.memory_space<vmem>>[vector<16xi32>, vector<16xi32>, vector<16xi32>], vector<16xf32>,
        %swap3A_456 = arith.index_cast %rem3A_86 : i32 to index
        %swap3A_457 = arith.index_cast %add3A_393 : i32 to index
        %swap3A_458 = arith.constant 192 : index
        %swap3A_459 = tpu.vector_load %arg7[%swap3A_456, %swap3A_457, %swap3A_458] {strides = array<i32>} : memref<2x56x256xf32, #tpu.memory_space<vmem>>, vector<16xf32>,
        tpu.vector_store %arg7[%swap3A_456, %swap3A_457, %swap3A_458], %gather3A_455 {strides = array<i32>} : memref<2x56x256xf32, #tpu.memory_space<vmem>>, vector<16xf32>,
        %gather3A_460 = tpu.vector_load_idx %arg6[%broadcast_in_dim3A, %broadcast_in_dim3A_394, %get3A_29] : memref<2x56x768xf32, #tpu.memory_space<vmem>>[vector<16xi32>, vector<16xi32>, vector<16xi32>], vector<16xf32>,
        %swap3A_461 = arith.index_cast %rem3A_86 : i32 to index
        %swap3A_462 = arith.index_cast %add3A_393 : i32 to index
        %swap3A_463 = arith.constant 208 : index
        %swap3A_464 = tpu.vector_load %arg7[%swap3A_461, %swap3A_462, %swap3A_463] {strides = array<i32>} : memref<2x56x256xf32, #tpu.memory_space<vmem>>, vector<16xf32>,
        tpu.vector_store %arg7[%swap3A_461, %swap3A_462, %swap3A_463], %gather3A_460 {strides = array<i32>} : memref<2x56x256xf32, #tpu.memory_space<vmem>>, vector<16xf32>,
        %gather3A_465 = tpu.vector_load_idx %arg6[%broadcast_in_dim3A, %broadcast_in_dim3A_394, %get3A_31] : memref<2x56x768xf32, #tpu.memory_space<vmem>>[vector<16xi32>, vector<16xi32>, vector<16xi32>], vector<16xf32>,
        %swap3A_466 = arith.index_cast %rem3A_86 : i32 to index
        %swap3A_467 = arith.index_cast %add3A_393 : i32 to index
        %swap3A_468 = arith.constant 224 : index
        %swap3A_469 = tpu.vector_load %arg7[%swap3A_466, %swap3A_467, %swap3A_468] {strides = array<i32>} : memref<2x56x256xf32, #tpu.memory_space<vmem>>, vector<16xf32>,
        tpu.vector_store %arg7[%swap3A_466, %swap3A_467, %swap3A_468], %gather3A_465 {strides = array<i32>} : memref<2x56x256xf32, #tpu.memory_space<vmem>>, vector<16xf32>,
        %gather3A_470 = tpu.vector_load_idx %arg6[%broadcast_in_dim3A, %broadcast_in_dim3A_394, %get3A_33] : memref<2x56x768xf32, #tpu.memory_space<vmem>>[vector<16xi32>, vector<16xi32>, vector<16xi32>], vector<16xf32>,
        %swap3A_471 = arith.index_cast %rem3A_86 : i32 to index
        %swap3A_472 = arith.index_cast %add3A_393 : i32 to index
        %swap3A_473 = arith.constant 240 : index
        %swap3A_474 = tpu.vector_load %arg7[%swap3A_471, %swap3A_472, %swap3A_473] {strides = array<i32>} : memref<2x56x256xf32, #tpu.memory_space<vmem>>, vector<16xf32>,
        tpu.vector_store %arg7[%swap3A_471, %swap3A_472, %swap3A_473], %gather3A_470 {strides = array<i32>} : memref<2x56x256xf32, #tpu.memory_space<vmem>>, vector<16xf32>,
      }
      %scan3A_114 = arith.constant 56 : i32
      %mul3A_115 = arith.constant 56 : i32
      %mul3A_116 = arith.muli %add3A_85, %mul3A_115 : i32
      %add3A_117 = arith.addi %mul3A_2, %mul3A_116 : i32
      %dma_start3A_118 = arith.constant 0 : i32
      %dma_start3A_119 = arith.constant 0 : i32
      %dma_start3A_120 = tpu.memref_slice %arg7[%rem3A_86, %dma_start3A_118, %dma_start3A_119] : memref<2x56x256xf32, #tpu.memory_space<vmem>> -> memref<1x56x256xf32, #tpu.memory_space<vmem>>
      %dma_start3A_121 = tpu.memref_squeeze %dma_start3A_120 : memref<1x56x256xf32, #tpu.memory_space<vmem>> -> memref<56x256xf32, #tpu.memory_space<vmem>>
      %dma_start3A_122 = arith.constant 0 : i32
      %dma_start3A_123 = tpu.memref_slice %arg4[%add3A_117, %dma_start3A_122] : memref<100352x256xf32, #tpu.memory_space<hbm>> -> memref<56x256xf32, #tpu.memory_space<hbm>>
      %dma_start3A_124 = arith.constant 0 : i32
      %dma_start3A_125 = tpu.memref_slice %arg4[%add3A_117, %dma_start3A_124] : memref<100352x256xf32, #tpu.memory_space<hbm>> -> memref<56x256xf32, #tpu.memory_space<hbm>>
      %dma_start3A_126 = arith.constant 0 : i32
      %dma_start3A_127 = arith.constant 0 : i32
      %dma_start3A_128 = tpu.memref_slice %arg7[%rem3A_86, %dma_start3A_126, %dma_start3A_127] : memref<2x56x256xf32, #tpu.memory_space<vmem>> -> memref<1x56x256xf32, #tpu.memory_space<vmem>>
      %dma_start3A_129 = tpu.memref_squeeze %dma_start3A_128 : memref<1x56x256xf32, #tpu.memory_space<vmem>> -> memref<56x256xf32, #tpu.memory_space<vmem>>
      tpu.enqueue_dma source(%dma_start3A_129 : memref<56x256xf32, #tpu.memory_space<vmem>>) target(%dma_start3A_125 : memref<56x256xf32, #tpu.memory_space<hbm>>) target_semaphore(%arg9 : memref<!tpu.dma_semaphore, #tpu.memory_space<semaphore_mem>>)
    }
    %scan3A_51 = arith.constant 56 : i32
    %add3A_52 = arith.constant 3024 : i32
    %add3A_53 = arith.addi %mul3A_2, %add3A_52 : i32
    %dma_wait3A = arith.constant 0 : i32
    %dma_wait3A_54 = arith.constant 0 : i32
    %dma_wait3A_55 = arith.constant 0 : i32
    %dma_wait3A_56 = tpu.memref_slice %arg7[%dma_wait3A, %dma_wait3A_54, %dma_wait3A_55] : memref<2x56x256xf32, #tpu.memory_space<vmem>> -> memref<1x56x256xf32, #tpu.memory_space<vmem>>
    %dma_wait3A_57 = tpu.memref_squeeze %dma_wait3A_56 : memref<1x56x256xf32, #tpu.memory_space<vmem>> -> memref<56x256xf32, #tpu.memory_space<vmem>>
    %dma_wait3A_58 = arith.constant 0 : i32
    %dma_wait3A_59 = tpu.memref_slice %arg4[%add3A_53, %dma_wait3A_58] : memref<100352x256xf32, #tpu.memory_space<hbm>> -> memref<56x256xf32, #tpu.memory_space<hbm>>
    %dma_wait3A_60 = arith.constant 0 : i32
    %dma_wait3A_61 = tpu.memref_slice %arg4[%add3A_53, %dma_wait3A_60] : memref<100352x256xf32, #tpu.memory_space<hbm>> -> memref<56x256xf32, #tpu.memory_space<hbm>>
    %dma_wait3A_62 = arith.constant 0 : i32
    %dma_wait3A_63 = arith.constant 0 : i32
    %dma_wait3A_64 = tpu.memref_slice %arg7[%dma_wait3A, %dma_wait3A_62, %dma_wait3A_63] : memref<2x56x256xf32, #tpu.memory_space<vmem>> -> memref<1x56x256xf32, #tpu.memory_space<vmem>>
    %dma_wait3A_65 = tpu.memref_squeeze %dma_wait3A_64 : memref<1x56x256xf32, #tpu.memory_space<vmem>> -> memref<56x256xf32, #tpu.memory_space<vmem>>
    tpu.wait_dma2 semaphore(%arg9 : memref<!tpu.dma_semaphore, #tpu.memory_space<semaphore_mem>>) src(%dma_wait3A_65 : memref<56x256xf32, #tpu.memory_space<vmem>>) dst(%dma_wait3A_61 : memref<56x256xf32, #tpu.memory_space<hbm>>)
    %add3A_66 = arith.constant 3080 : i32
    %add3A_67 = arith.addi %mul3A_2, %add3A_66 : i32
    %dma_wait3A_68 = arith.constant 1 : i32
    %dma_wait3A_69 = arith.constant 0 : i32
    %dma_wait3A_70 = arith.constant 0 : i32
    %dma_wait3A_71 = tpu.memref_slice %arg7[%dma_wait3A_68, %dma_wait3A_69, %dma_wait3A_70] : memref<2x56x256xf32, #tpu.memory_space<vmem>> -> memref<1x56x256xf32, #tpu.memory_space<vmem>>
    %dma_wait3A_72 = tpu.memref_squeeze %dma_wait3A_71 : memref<1x56x256xf32, #tpu.memory_space<vmem>> -> memref<56x256xf32, #tpu.memory_space<vmem>>
    %dma_wait3A_73 = arith.constant 0 : i32
    %dma_wait3A_74 = tpu.memref_slice %arg4[%add3A_67, %dma_wait3A_73] : memref<100352x256xf32, #tpu.memory_space<hbm>> -> memref<56x256xf32, #tpu.memory_space<hbm>>
    %dma_wait3A_75 = arith.constant 0 : i32
    %dma_wait3A_76 = tpu.memref_slice %arg4[%add3A_67, %dma_wait3A_75] : memref<100352x256xf32, #tpu.memory_space<hbm>> -> memref<56x256xf32, #tpu.memory_space<hbm>>
    %dma_wait3A_77 = arith.constant 0 : i32
    %dma_wait3A_78 = arith.constant 0 : i32
    %dma_wait3A_79 = tpu.memref_slice %arg7[%dma_wait3A_68, %dma_wait3A_77, %dma_wait3A_78] : memref<2x56x256xf32, #tpu.memory_space<vmem>> -> memref<1x56x256xf32, #tpu.memory_space<vmem>>
    %dma_wait3A_80 = tpu.memref_squeeze %dma_wait3A_79 : memref<1x56x256xf32, #tpu.memory_space<vmem>> -> memref<56x256xf32, #tpu.memory_space<vmem>>
    tpu.wait_dma2 semaphore(%arg9 : memref<!tpu.dma_semaphore, #tpu.memory_space<semaphore_mem>>) src(%dma_wait3A_80 : memref<56x256xf32, #tpu.memory_space<vmem>>) dst(%dma_wait3A_76 : memref<56x256xf32, #tpu.memory_space<hbm>>)
    return
  }
}

</mosaic_0001>

<sc_bundles>
// kernel: kernel.3.cloned.1.call-start
scs
__scs_entry_jumppad:
0x0: {  	(pc) =	sbr.rel $0x88, $3  }
0x1: {  	(tag) =	ssettag $0x0;
	lr =	simm.s32 $0x1  }
0x2: {  	[smem:$0x3F9F] =	sst lr;
	_ =	strace $0xD0000000  }
0x3: {  	_ = 	snop  }
0x4: {  	_ = 	snop  }
0x5: {  	_ = 	snop  }
0x6: {  	_ = 	snop  }
0x7: {  	_ = 	snop  }
__scs_overlays_trampoline_lowered:
0x8: {  	[smem:$0x3FAE] =	sst s0  }
0x9: {  	[smem:$0x3FAF] =	sst s1  }
0xa: {  	[smem:$0x3FB0] =	sst s2  }
0xb: {  	[smem:$0x3FB1] =	sst s3  }
0xc: {  	[smem:$0x3FB2] =	sst s4  }
0xd: {  	[smem:$0x3FB3] =	sst s5  }
0xe: {  	[smem:$0x3FB4] =	sst s6  }
0xf: {  	[smem:$0x3FB5] =	sst s7  }
0x10: {  	[smem:$0x3FB6] =	sst s8  }
0x11: {  	[smem:$0x3FB7] =	sst s9;
	s0 =	simm.s32 @!p0 $0x0  }
0x12: {  	s1 =	sld [smem:$0x3F9D];
	s0 =	simm.s32 @p0 $0x1  }
0x13: {  	[smem:$0x3FB8] =	sst s0;
	s0 =	simm.s32 @!p1 $0x0  }
0x14: {  	s2 =	sld [smem:$0x3F9C];
	s0 =	simm.s32 @p1 $0x1  }
0x15: {  	[smem:$0x3FB9] =	sst s0;
	s0 =	simm.s32 @!p2 $0x0  }
0x16: {  	s3 =	sld [smem:$0x3FDB];
	s0 =	simm.s32 @p2 $0x1  }
0x17: {  	s4 =	simm.s32 $0x1BF5;
	[smem:$0x3FBB] =	sst s0  }
0x18: {  	s0 =	sld [smem:$0x3F9E];
	_ =	swait.ge [sflag:s4], $0x0  }
0x19: {  	s7 =	sld [smem:$0x3F9F]  }
0x1a: {  	s8 =	sadd.s32 $0xFFFFE003, lr  }
0x1b: {  	s9 =	sadd.s32 $0xFFFFFEF7, lr;
	s5 =	simm.s32 $0xFFFFFFFF;
	p2 =	slt.u32 s8, $0xFFFFF086  }
0x1c: {  	p1 =	slt.u32 s9, $0xF7A;
	s5 =	simm.s32 @!p2 $0x0  }
0x1d: {  	s5 =	simm.s32 @p1 $0x1;
	p0 =	seq.s32 s7, s2  }
0x1e: {  	s7 =	smul.u32 @!p0 $0xF7A, s2;
	p2 =	seq.s32 @!p0 s5, $0x0  }
0x1f: {  	s9 =	smul.u32 $0xF7A, s1;
	s8 =	simm.s32 @!p0 $0x1BF5;
	p2 =	por !p2, p0  }
0x20: {  	[sflag:s8] =	ssyncset.s32 @!p0 $0xFFFFF086;
	s6 =	sadd.s32 @!p0 s3, s7;
	s7 =	simm.s32 @!p0 $0x108  }
0x21: {  	s3 =	sadd.s32 s3, s9;
	s6 =	sadd.s32 @!p0 $0x88, s6;
	s7 =	simm.s32 @p2 $0x1082  }
0x22: {  	[simem:s7], [sflag:s8] =	dma.local @!p0 [hbm:s6], $0xF7A  }
0x23: {  	s9 =	sor.u32 $0xD0000000, s2;
	s6 =	simm.s32 $0x108;
	_ =	swait.ge @!p0 [sflag:s8], $0x0  }
0x24: {  	s3 =	sadd.s32 $0x88, s3;
	s6 =	simm.s32 @!p1 $0x1082;
	[sflag:s4] =	ssyncset.s32 $0xFFFFF086  }
0x25: {  	[simem:s6], [sflag:s4] =	dma.local [hbm:s3], $0xF7A  }
0x26: {  	[smem:$0x3F9F] =	sst s1;
	(tag) =	ssettag s2;
	_ =	strace s9  }
0x27: {  	s1 =	sld [smem:$0x3FAF]  }
0x28: {  	s2 =	sld [smem:$0x3FB0]  }
0x29: {  	s4 =	sld [smem:$0x3FB2]  }
0x2a: {  	p0 =	seq.s32 s5, $0x0;
	s5 =	sld [smem:$0x3FB3]  }
0x2b: {  	s6 =	sld [smem:$0x3FB4]  }
0x2c: {  	s7 =	sld [smem:$0x3FB5]  }
0x2d: {  	s3 =	simm.s32 $0x108;
	s8 =	sld [smem:$0x3FB6]  }
0x2e: {  	s3 =	simm.s32 @!p0 $0x1082;
	s9 =	sld [smem:$0x3FB7]  }
0x2f: {  	lr =	sadd.s32 s0, s3;
	s0 =	sld [smem:$0x3FAE]  }
0x30: {  	s3 =	sld [smem:$0x3FB1]  }
0x31: {  	[smem:$0x3FBA] =	sst s10  }
0x32: {  	s10 =	sld [smem:$0x3FB8];
	_ =	sdelay $0x3  }
0x33: {  	p0 =	seq.s32 s10, $0x1;
	s10 =	sld [smem:$0x3FBA];
	_ =	sdelay $0x3  }
0x34: {  	[smem:$0x3FBA] =	sst s10  }
0x35: {  	s10 =	sld [smem:$0x3FB9];
	_ =	sdelay $0x3  }
0x36: {  	p1 =	seq.s32 s10, $0x1;
	s10 =	sld [smem:$0x3FBA];
	_ =	sdelay $0x3  }
0x37: {  	[smem:$0x3FBA] =	sst s10  }
0x38: {  	s10 =	sld [smem:$0x3FBB]  }
0x39: {  	_ = 	snop;
	(pc) =	sbr.ind lr, $3  }
0x3a: {  	_ = 	snop  }
0x3b: {  	_ = 	snop  }
0x3c: {  	p2 =	seq.s32 s10, $0x1;
	s10 =	sld [smem:$0x3FBA]  }
0x3d: {  	_ =	shalt  }
0x3e: {  	_ =	shalt  }
0x3f: {  	_ =	shalt  }
0x40: {  	_ =	shalt  }
0x41: {  	_ =	shalt  }
0x42: {  	_ =	shalt  }
0x43: {  	_ =	shalt  }
0x44: {  	_ =	shalt  }
0x45: {  	_ =	shalt  }
0x46: {  	_ =	shalt  }
0x47: {  	_ =	shalt  }
0x48: {  	_ =	shalt  }
0x49: {  	_ =	shalt  }
0x4a: {  	_ =	shalt  }
0x4b: {  	_ =	shalt  }
0x4c: {  	_ =	shalt  }
0x4d: {  	_ =	shalt  }
0x4e: {  	_ =	shalt  }
0x4f: {  	_ =	shalt  }
0x50: {  	_ =	shalt  }
0x51: {  	_ =	shalt  }
0x52: {  	_ =	shalt  }
0x53: {  	_ =	shalt  }
0x54: {  	_ =	shalt  }
0x55: {  	_ =	shalt  }
0x56: {  	_ =	shalt  }
0x57: {  	_ =	shalt  }
0x58: {  	_ =	shalt  }
0x59: {  	_ =	shalt  }
0x5a: {  	_ =	shalt  }
0x5b: {  	_ =	shalt  }
0x5c: {  	_ =	shalt  }
0x5d: {  	_ =	shalt  }
0x5e: {  	_ =	shalt  }
0x5f: {  	_ =	shalt  }
0x60: {  	_ =	shalt  }
0x61: {  	_ =	shalt  }
0x62: {  	_ =	shalt  }
0x63: {  	_ =	shalt  }
0x64: {  	_ =	shalt  }
0x65: {  	_ =	shalt  }
0x66: {  	_ =	shalt  }
0x67: {  	_ =	shalt  }
0x68: {  	_ =	shalt  }
0x69: {  	_ =	shalt  }
0x6a: {  	_ =	shalt  }
0x6b: {  	_ =	shalt  }
0x6c: {  	_ =	shalt  }
0x6d: {  	_ =	shalt  }
0x6e: {  	_ =	shalt  }
0x6f: {  	_ =	shalt  }
0x70: {  	_ =	shalt  }
0x71: {  	_ =	shalt  }
0x72: {  	_ =	shalt  }
0x73: {  	_ =	shalt  }
0x74: {  	_ =	shalt  }
0x75: {  	_ =	shalt  }
0x76: {  	_ =	shalt  }
0x77: {  	_ =	shalt  }
0x78: {  	_ =	shalt  }
0x79: {  	_ =	shalt  }
0x7a: {  	_ =	shalt  }
0x7b: {  	_ =	shalt  }
0x7c: {  	_ =	shalt  }
0x7d: {  	_ =	shalt  }
0x7e: {  	_ =	shalt  }
0x7f: {  	_ =	shalt  }
0x80: {  	_ =	shalt  }
0x81: {  	_ =	shalt  }
0x82: {  	_ =	shalt  }
0x83: {  	_ =	shalt  }
0x84: {  	_ =	shalt  }
0x85: {  	_ =	shalt  }
0x86: {  	_ =	shalt  }
0x87: {  	_ =	shalt  }
.Lfunc_end0:
.L_simem_size_0:
called_computation_lowered:
.L_overlay_start_0:
0x88: {  	s2 =	sld [smem:$0x3FD9]  }
0x89: {  	s3 =	sld [smem:$0x3FFE];
	_ =	sdelay $0x1  }
0x8a: {  	s1 =	srdreg.scid  }
0x8b: {  	s0 =	sand.u32 $0x1, s1  }
0x8c: {  	s18 =	sshll.u32 s0, $0xA;
	s2 =	sadd.s32 s3, s2  }
0x8d: {  	s2 =	sadd.s32 s2, s18  }
0x8e: {  	[smem:$0x3FC6] =	sst s2  }
0x8f: {  	_ = 	snop  }
0x90: {  	s2 =	sld [smem:$0x3FC9]  }
0x91: {  	s19 =	sld [smem:$0x3FC8]  }
0x92: {  	s4 =	sld [smem:$0x3FD0];
	(tm) =	ssettm $0x1  }
0x93: {  	s5 =	sld [smem:$0x3FFB];
	_ =	sdelay $0x3  }
0x94: {  	_ =	strace s5  }
0x95: {  	s5 =	sld [smem:$0x3FFC];
	_ =	sdelay $0x3  }
0x96: {  	_ =	strace s5  }
0x97: {  	s5 =	sld [smem:$0x3FFD];
	_ =	sdelay $0x3  }
0x98: {  	_ =	strace s5  }
0x99: {  	_ =	strace $0x8FFFFFFF  }
0x9a: {  	s20 =	sld [smem:$0x3FDB];
	_ =	sdelay $0x1  }
0x9b: {  	s6 =	simm.s32 $_scs_section_size  }
0x9c: {  	s7 =	simm.s32 $_size__tile_overlayer_lowered;
	s8 =	simm.s32 $_tile_overlayer_lowered  }
0x9d: {  	s23 =	simm.s32 $0x1BFF;
	s22 =	sshll.u32 s8, $0x1;
	s5 =	sadd.s32 s6, s20  }
0x9e: {  	s9 =	simm.s32 $0x0;
	s21 =	sshll.u32 s7, $0x1;
	s7 =	sadd.s32 s22, s5  }
0x9f: {  	[timem:s9], [sflag:s23] =	dma.local [hbm:s7], s21  }
0xa0: {  	_ =	swait.ge [sflag:s23], s21  }
0xa1: {  	s6 =	ssub.s32 $0x0, s21;
	[sflag:s23] =	ssyncset.done $0x0  }
0xa2: {  	[sflag:s23] =	ssyncadd.s32 s6;
	_ =	sdelay $0x1  }
0xa3: {  	s24 =	simm.s32 $0x1B8B  }
0xa4: {  	_ =	swait.ge [sflag:s24], $0x1  }
0xa5: {  	[sflag:s24] =	ssyncset.done $0x0  }
0xa6: {  	s25 =	simm.s32 $0x1B8E;
	[sflag:s24] =	ssyncadd.s32 $0xFFFFFFFF  }
0xa7: {  	s26 =	simm.s32 $execute0_lowered;
	[smem:$0x3FD2] =	sst s25  }
0xa8: {  	s6 =	sshll.u32 s26, $0x1;
	_ =	strace $0x80000046;
	[dreg:$0x1] =	wrdreg $0xFFFFFFFF  }
0xa9: {  	s28 =	simm.s32 $_size_execute0_lowered;
	s5 =	sadd.s32 s5, s6;
	[dreg:$0x0] =	wrdreg $0x0  }
0xaa: {  	s6 =	sshll.u32 s28, $0x1;
	[dreg:$0x2] =	wrdreg s5  }
0xab: {  	[dreg:$0x3] =	wrdreg s6  }
0xac: {  	[dreg:$0x4] =	wrdreg $0xC0  }
0xad: {  	_ =	task [dreg:s9], $0x5FFFF  }
0xae: {  	[dreg:$0x1] =	wrdreg $0xFFFFFFFF  }
0xaf: {  	[dreg:$0x0] =	wrdreg $0x60  }
0xb0: {  	[dreg:$0x2] =	wrdreg s2  }
0xb1: {  	[dreg:$0x3] =	wrdreg s19  }
0xb2: {  	[dreg:$0x4] =	wrdreg s4  }
0xb3: {  	[dreg:$0x5] =	wrdreg $0x9  }
0xb4: {  	_ =	task.clear_ibuf [dreg:s9], $0x6FFFF;
	_ =	strace $0x90000046  }
0xb5: {  	s29 =	simm.s32 $0x9;
	_ =	strace $0x80000048  }
0xb6: {  	_ =	swait.ge [sflag:s29], $0x1  }
0xb7: {  	[sflag:s29] =	ssyncadd.s32 $0xFFFFFFFF  }
0xb8: {  	_ =	strace $0x90000048  }
0xb9: {  	_ =	sfence  }
0xba: {  	s30 =	sld [smem:$0x0];
	_ =	sdelay $0x2  }
0xbb: {  	s31 =	sshll.u32 s1, $0xD;
	s1 =	sshrl.u32 s1, $0x2  }
0xbc: {  	s3 =	sand.u32 $0x4000, s31;
	s1 =	sadd.s32 s1, s30  }
0xbd: {  	s0 =	sor.u32 s3, s0;
	s1 =	sshll.u32 s1, $0x11  }
0xbe: {  	s0 =	sor.u32 s1, s0  }
0xbf: {  	s0 =	sadd.s32 $0x8F2B, s0  }
0xc0: {  	[sflag:s0] =	ssyncadd.remote.s32 $0x1  }
0xc1: {  	_ =	sfence.sel $0xFFFF  }
0xc2: {  	[dreg:$0x0] =	wrdreg $0xFFFFFFFF;
	(pc) =	sbr.abs _section_cstart, $3  }
0xc3: {  	[dreg:$0x1] =	wrdreg $0xFFFFFFFF  }
0xc4: {  	_ =	task.clear_ibuf [dreg:s9], $0x2FFFF;
	_ =	strace $0x9FFFFFFF  }
0xc5: {  	(tm) =	ssettm $0x7FFFFFFF  }
tec
execute0_lowered:
.L_overlay_start_1:
0x0: {  	(tag) =	ssettag $0x1  }
0x1: {  	s1 =	srdreg.scid;
	s0 =	stileid.u32  }
0x2: {  	s2 =	rddreg [dreg:$0x0];
	s7 =	sand.u32 $0x1, s1;
	s31 =	sshll.u32 s0, $0x1  }
0x3: {  	s3 =	rddreg [dreg:$0x1];
	s1 =	sor.u32 s7, s31  }
0x4: {  	s5 =	rddreg [dreg:$0x2];
	s6 =	simm.s32 $0x0;
	s4 =	smul.u32 $0xC40, s1  }
0x5: {  	s10 =	simm.s32 $0x100;
	s11 =	simm.s32 $0x1;
	s12 =	simm.s32 $0x2  }
0x6: {  	s13 =	simm.s32 $0x0;
	s7 =	ssub.s32 $0x2, s7;
	s8 =	sshrl.u32 s4, $0x3  }
0x7: {  	[smem:$0x7FF] =	sst s6;
	s9 =	sshrl.u32 s7, $0x1;
	s8 =	smul.u32 $0x300, s8  }
0x8: {  	s1 =	rddreg [dreg:$0x3];
	_ =	strace $0x80000047;
	s9 =	ssub.s32 s7, s9  }
0x9: {  	s7 =	sadd.s32 s2, s8;
	s8 =	smax.u32 s9, $0x1;
	s9 =	simm.s32 $0x3  }
.LBB2_1:
0xa: {  	[tilespmem:s6], [sflag:$0x3] =	stream.linear.gather [hbm4b:s3+s6], $0x100, $0x38;
	[tilespmem:$0x1C100] =	vst v63  }
0xb: {  	_ =	swait.ge [sflag:s9], $0x100  }
0xc: {  	[sflag:s9] =	ssyncset.done $0x0  }
0xd: {  	[sflag:s9] =	ssyncadd.s32 $0xFFFFFF00  }
0xe: {  	v1 =	vld [tilespmem:$0x0]  }
0xf: {  	v2 =	vld [tilespmem:$0x10]  }
0x10: {  	v5 =	vld [tilespmem:$0x20]  }
0x11: {  	v6 =	vld [tilespmem:$0x30]  }
0x12: {  	v9 =	vld [tilespmem:$0x40]  }
0x13: {  	v10 =	vld [tilespmem:$0x50]  }
0x14: {  	v13 =	vld [tilespmem:$0x60]  }
0x15: {  	v14 =	vld [tilespmem:$0x70]  }
0x16: {  	v17 =	vld [tilespmem:$0x80]  }
0x17: {  	v18 =	vld [tilespmem:$0x90]  }
0x18: {  	v21 =	vld [tilespmem:$0xA0];
	v0 =	vand.u32 $0x7F, v1;
	v1 =	vshll.u32 v1, $0x3;
	v3 =	vshll.u32 v2, $0x3  }
0x19: {  	v22 =	vld [tilespmem:$0xB0];
	v2 =	vand.u32 $0x7F, v2;
	v4 =	vand.u32 $0x7F, v5;
	v5 =	vshll.u32 v5, $0x3  }
0x1a: {  	v25 =	vld [tilespmem:$0xC0];
	v7 =	vshll.u32 v6, $0x3;
	v6 =	vand.u32 $0x7F, v6;
	v8 =	vand.u32 $0x7F, v9  }
0x1b: {  	v26 =	vld [tilespmem:$0xD0];
	v9 =	vshll.u32 v9, $0x3;
	v11 =	vshll.u32 v10, $0x3;
	v10 =	vand.u32 $0x7F, v10  }
0x1c: {  	v29 =	vld [tilespmem:$0xE0];
	v12 =	vand.u32 $0x7F, v13;
	v13 =	vshll.u32 v13, $0x3;
	v15 =	vshll.u32 v14, $0x3  }
0x1d: {  	v30 =	vld [tilespmem:$0xF0];
	v14 =	vand.u32 $0x7F, v14;
	v16 =	vand.u32 $0x7F, v17;
	v17 =	vshll.u32 v17, $0x3  }
0x1e: {  	v19 =	vshll.u32 v18, $0x3;
	v18 =	vand.u32 $0x7F, v18;
	v20 =	vand.u32 $0x7F, v21  }
0x1f: {  	v21 =	vshll.u32 v21, $0x3;
	v23 =	vshll.u32 v22, $0x3;
	v22 =	vand.u32 $0x7F, v22  }
0x20: {  	v24 =	vand.u32 $0x7F, v25;
	v25 =	vshll.u32 v25, $0x3;
	v27 =	vshll.u32 v26, $0x3  }
0x21: {  	v26 =	vand.u32 $0x7F, v26;
	v28 =	vand.u32 $0x7F, v29;
	v29 =	vshll.u32 v29, $0x3  }
0x22: {  	v31 =	vshll.u32 v30, $0x3;
	v30 =	vand.u32 $0x7F, v30;
	v1 =	vand.u32 $0xFFFFFC00, v1  }
0x23: {  	v3 =	vand.u32 $0xFFFFFC00, v3;
	v5 =	vand.u32 $0xFFFFFC00, v5;
	v7 =	vand.u32 $0xFFFFFC00, v7  }
0x24: {  	v9 =	vand.u32 $0xFFFFFC00, v9;
	v11 =	vand.u32 $0xFFFFFC00, v11;
	v13 =	vand.u32 $0xFFFFFC00, v13  }
0x25: {  	v15 =	vand.u32 $0xFFFFFC00, v15;
	v17 =	vand.u32 $0xFFFFFC00, v17;
	v19 =	vand.u32 $0xFFFFFC00, v19  }
0x26: {  	s14 =	simm.s32 $0x0;
	v21 =	vand.u32 $0xFFFFFC00, v21;
	v23 =	vand.u32 $0xFFFFFC00, v23;
	v25 =	vand.u32 $0xFFFFFC00, v25  }
0x27: {  	[tilespmem:s10], [sflag:$0x1] =	stream.linear.gather [hbm4b:s7+s6], $0xA800, $0x38;
	v27 =	vand.u32 $0xFFFFFC00, v27;
	v29 =	vand.u32 $0xFFFFFC00, v29;
	v31 =	vand.u32 $0xFFFFFC00, v31;
	[tilespmem:$0x1C100] =	vst v63  }
.LBB2_2:
0x28: {  	s15 =	smov.u32 s14  }
0x29: {  	s14 =	sadd.s32 $0x1, s14;
	p0 =	seq.s32 s15, $0x37  }
0x2a: {  	s16 =	smul.u32 @!p0 $0x38, s14  }
0x2b: {  	s17 =	sand.u32 $0x1, s15  }
0x2c: {  	s18 =	sxor.u32 @!p0 $0x1, s17;
	s16 =	sadd.s32 @!p0 s4, s16  }
0x2d: {  	s18 =	smul.u32 @!p0 $0x2A000, s18;
	s16 =	sshrl.u32 @!p0 s16, $0x3  }
0x2e: {  	s16 =	smul.u32 @!p0 $0x300, s16  }
0x2f: {  	s18 =	sshrl.u32 @!p0 s18, $0x2  }
0x30: {  	s19 =	simm.s32 @!p0 $0x0;
	s18 =	sor.u32 @!p0 $0x100, s18;
	s16 =	sadd.s32 @!p0 s2, s16  }
0x31: {  	[tilespmem:s18], [sflag:$0x1] =	stream.linear.gather @!p0 [hbm4b:s16+s19], $0xA800, $0x38;
	[tilespmem:$0x1C100] =	vst v63  }
0x32: {  	_ =	swait.ge [sflag:s11], $0xA800  }
0x33: {  	s30 =	smul.u32 $0xE000, s17;
	p0 =	slt.u32 s15, $0x2;
	[sflag:s11] =	ssyncset.done $0x0  }
0x34: {  	v32 =	vmov s17;
	s17 =	simm.s32 $0x180;
	s16 =	simm.s32 @!p0 $0x2;
	[sflag:s11] =	ssyncadd.s32 $0xFFFF5800  }
0x35: {  	v32 =	vmul.u32 $0xA800, v32;
	s31 =	sshrl.u32 s30, $0x2;
	s15 =	smul.u32 $0x38, s15;
	_ =	swait.ge @!p0 [sflag:s16], $0x3800  }
0x36: {  	s18 =	simm.s32 $0x0;
	s19 =	simm.s32 $0x0;
	[sflag:s16] =	ssyncset.done @!p0 $0x0  }
0x37: {  	v32 =	vbroadcast v32, $0x0;
	s15 =	sadd.s32 s4, s15;
	[sflag:s16] =	ssyncadd.s32 @!p0 $0xFFFFC800;
	s16 =	sadd.s32 $0x15100, s31  }
.LBB2_3:
0x38: {  	v33 =	vmov s19  }
0x39: {  	v34 =	vshrl.u32 v33, $0x3  }
0x3a: {  	v34 =	vmul.u32 $0x1800, v34;
	_ =	sdelay $0x1  }
0x3b: {  	v33 =	vshll.u32 v33, $0x7;
	v34 =	vadd.s32 v32, v34  }
0x3c: {  	v33 =	vand.u32 $0x200, v33;
	v35 =	vadd.s32 v1, v34  }
0x3d: {  	v35 =	vor.u32 v33, v35  }
0x3e: {  	v35 =	vor.u32 v0, v35;
	_ =	sdelay $0x3  }
0x3f: {  	v36 =	vadd.s32 v3, v34  }
0x40: {  	v36 =	vor.u32 v33, v36;
	v35 =	vld.idx.msk [tilespmem:v35+s10+$0x0], $0xffff  }
0x41: {  	v36 =	vor.u32 v2, v36  }
0x42: {  	s20 =	sand.u32 $0x3800, s18;
	s21 =	sadd.s32 $0xFFFFFE80, s17  }
0x43: {  	s21 =	sand.u32 $0x200, s21;
	s20 =	sadd.s32 s20, s16  }
0x44: {  	s21 =	sadd.s32 s21, s20  }
0x45: {  	v49 =	vadd.s32 v5, v34;
	[tilespmem:s21+$0x0] =	vst v35  }
0x46: {  	v35 =	vor.u32 v33, v49;
	v36 =	vld.idx.msk [tilespmem:v36+s10+$0x0], $0xffff  }
0x47: {  	v35 =	vor.u32 v4, v35;
	_ =	sdelay $0x3  }
0x48: {  	v50 =	vadd.s32 v7, v34;
	[tilespmem:s21+$0x10] =	vst v36  }
0x49: {  	v36 =	vor.u32 v33, v50;
	v35 =	vld.idx.msk [tilespmem:v35+s10+$0x0], $0xffff  }
0x4a: {  	v36 =	vor.u32 v6, v36;
	_ =	sdelay $0x3  }
0x4b: {  	v51 =	vadd.s32 v9, v34;
	[tilespmem:s21+$0x20] =	vst v35  }
0x4c: {  	v35 =	vor.u32 v33, v51;
	v36 =	vld.idx.msk [tilespmem:v36+s10+$0x0], $0xffff  }
0x4d: {  	v35 =	vor.u32 v8, v35;
	_ =	sdelay $0x3  }
0x4e: {  	v52 =	vadd.s32 v11, v34;
	[tilespmem:s21+$0x30] =	vst v36  }
0x4f: {  	v36 =	vor.u32 v33, v52;
	v35 =	vld.idx.msk [tilespmem:v35+s10+$0x0], $0xffff  }
0x50: {  	v36 =	vor.u32 v10, v36;
	_ =	sdelay $0x3  }
0x51: {  	v53 =	vadd.s32 v13, v34;
	[tilespmem:s21+$0x40] =	vst v35  }
0x52: {  	v35 =	vor.u32 v33, v53;
	v36 =	vld.idx.msk [tilespmem:v36+s10+$0x0], $0xffff  }
0x53: {  	v35 =	vor.u32 v12, v35;
	_ =	sdelay $0x3  }
0x54: {  	v54 =	vadd.s32 v15, v34;
	[tilespmem:s21+$0x50] =	vst v36  }
0x55: {  	v36 =	vor.u32 v33, v54;
	v35 =	vld.idx.msk [tilespmem:v35+s10+$0x0], $0xffff  }
0x56: {  	v36 =	vor.u32 v14, v36;
	_ =	sdelay $0x3  }
0x57: {  	v55 =	vadd.s32 v17, v34;
	[tilespmem:s21+$0x60] =	vst v35  }
0x58: {  	v35 =	vor.u32 v33, v55;
	v36 =	vld.idx.msk [tilespmem:v36+s10+$0x0], $0xffff  }
0x59: {  	v35 =	vor.u32 v16, v35;
	_ =	sdelay $0x3  }
0x5a: {  	v56 =	vadd.s32 v19, v34;
	[tilespmem:s21+$0x70] =	vst v36  }
0x5b: {  	v36 =	vor.u32 v33, v56;
	v35 =	vld.idx.msk [tilespmem:v35+s10+$0x0], $0xffff  }
0x5c: {  	v36 =	vor.u32 v18, v36;
	_ =	sdelay $0x3  }
0x5d: {  	v57 =	vadd.s32 v21, v34;
	[tilespmem:s21+$0x400] =	vst v35  }
0x5e: {  	v35 =	vor.u32 v33, v57;
	v36 =	vld.idx.msk [tilespmem:v36+s10+$0x0], $0xffff  }
0x5f: {  	v35 =	vor.u32 v20, v35;
	_ =	sdelay $0x3  }
0x60: {  	v58 =	vadd.s32 v23, v34;
	[tilespmem:s21+$0x410] =	vst v36  }
0x61: {  	v36 =	vor.u32 v33, v58;
	v35 =	vld.idx.msk [tilespmem:v35+s10+$0x0], $0xffff  }
0x62: {  	v36 =	vor.u32 v22, v36;
	_ =	sdelay $0x3  }
0x63: {  	v59 =	vadd.s32 v25, v34;
	[tilespmem:s21+$0x420] =	vst v35  }
0x64: {  	v35 =	vor.u32 v33, v59;
	v36 =	vld.idx.msk [tilespmem:v36+s10+$0x0], $0xffff  }
0x65: {  	v35 =	vor.u32 v24, v35;
	_ =	sdelay $0x3  }
0x66: {  	v60 =	vadd.s32 v27, v34;
	[tilespmem:s21+$0x430] =	vst v36  }
0x67: {  	v36 =	vor.u32 v33, v60;
	v35 =	vld.idx.msk [tilespmem:v35+s10+$0x0], $0xffff  }
0x68: {  	v36 =	vor.u32 v26, v36;
	_ =	sdelay $0x3  }
0x69: {  	v61 =	vadd.s32 v29, v34;
	[tilespmem:s21+$0x440] =	vst v35  }
0x6a: {  	v35 =	vor.u32 v33, v61;
	v36 =	vld.idx.msk [tilespmem:v36+s10+$0x0], $0xffff  }
0x6b: {  	v35 =	vor.u32 v28, v35;
	_ =	sdelay $0x3  }
0x6c: {  	s22 =	sadd.s32 $0x1, s19;
	v34 =	vadd.s32 v31, v34;
	[tilespmem:s21+$0x450] =	vst v36  }
0x6d: {  	v62 =	vmov s22;
	v33 =	vor.u32 v33, v34;
	v35 =	vld.idx.msk [tilespmem:v35+s10+$0x0], $0xffff  }
0x6e: {  	v63 =	vshrl.u32 v62, $0x3;
	v33 =	vor.u32 v30, v33  }
0x6f: {  	v36 =	vmul.u32 $0x1800, v63;
	_ =	sdelay $0x1  }
0x70: {  	v34 =	vshll.u32 v62, $0x7;
	v36 =	vadd.s32 v32, v36  }
0x71: {  	v34 =	vand.u32 $0x280, v34;
	v38 =	vadd.s32 v1, v36;
	[tilespmem:s21+$0x460] =	vst v35  }
0x72: {  	v35 =	vor.u32 v34, v38;
	v33 =	vld.idx.msk [tilespmem:v33+s10+$0x0], $0xffff  }
0x73: {  	v35 =	vor.u32 v0, v35;
	_ =	sdelay $0x3  }
0x74: {  	v39 =	vadd.s32 v3, v36;
	[tilespmem:s21+$0x470] =	vst v33  }
0x75: {  	v33 =	vor.u32 v34, v39;
	v35 =	vld.idx.msk [tilespmem:v35+s10+$0x0], $0xffff  }
0x76: {  	v33 =	vor.u32 v2, v33  }
0x77: {  	s26 =	sadd.s32 $0xFFFFFF00, s17  }
0x78: {  	s21 =	sand.u32 $0x280, s26  }
0x79: {  	s21 =	sadd.s32 s21, s20  }
0x7a: {  	v40 =	vadd.s32 v5, v36;
	[tilespmem:s21+$0x0] =	vst v35  }
0x7b: {  	v35 =	vor.u32 v34, v40;
	v33 =	vld.idx.msk [tilespmem:v33+s10+$0x0], $0xffff  }
0x7c: {  	v35 =	vor.u32 v4, v35;
	_ =	sdelay $0x3  }
0x7d: {  	v41 =	vadd.s32 v7, v36;
	[tilespmem:s21+$0x10] =	vst v33  }
0x7e: {  	v33 =	vor.u32 v34, v41;
	v35 =	vld.idx.msk [tilespmem:v35+s10+$0x0], $0xffff  }
0x7f: {  	v33 =	vor.u32 v6, v33;
	_ =	sdelay $0x3  }
0x80: {  	v42 =	vadd.s32 v9, v36;
	[tilespmem:s21+$0x20] =	vst v35  }
0x81: {  	v35 =	vor.u32 v34, v42;
	v33 =	vld.idx.msk [tilespmem:v33+s10+$0x0], $0xffff  }
0x82: {  	v35 =	vor.u32 v8, v35;
	_ =	sdelay $0x3  }
0x83: {  	v43 =	vadd.s32 v11, v36;
	[tilespmem:s21+$0x30] =	vst v33  }
0x84: {  	v33 =	vor.u32 v34, v43;
	v35 =	vld.idx.msk [tilespmem:v35+s10+$0x0], $0xffff  }
0x85: {  	v33 =	vor.u32 v10, v33;
	_ =	sdelay $0x3  }
0x86: {  	v44 =	vadd.s32 v13, v36;
	[tilespmem:s21+$0x40] =	vst v35  }
0x87: {  	v35 =	vor.u32 v34, v44;
	v33 =	vld.idx.msk [tilespmem:v33+s10+$0x0], $0xffff  }
0x88: {  	v35 =	vor.u32 v12, v35;
	_ =	sdelay $0x3  }
0x89: {  	v45 =	vadd.s32 v15, v36;
	[tilespmem:s21+$0x50] =	vst v33  }
0x8a: {  	v33 =	vor.u32 v34, v45;
	v35 =	vld.idx.msk [tilespmem:v35+s10+$0x0], $0xffff  }
0x8b: {  	v33 =	vor.u32 v14, v33;
	_ =	sdelay $0x3  }
0x8c: {  	v46 =	vadd.s32 v17, v36;
	[tilespmem:s21+$0x60] =	vst v35  }
0x8d: {  	v35 =	vor.u32 v34, v46;
	v33 =	vld.idx.msk [tilespmem:v33+s10+$0x0], $0xffff  }
0x8e: {  	v35 =	vor.u32 v16, v35;
	_ =	sdelay $0x3  }
0x8f: {  	v47 =	vadd.s32 v19, v36;
	[tilespmem:s21+$0x70] =	vst v33  }
0x90: {  	v33 =	vor.u32 v34, v47;
	v35 =	vld.idx.msk [tilespmem:v35+s10+$0x0], $0xffff  }
0x91: {  	v33 =	vor.u32 v18, v33;
	_ =	sdelay $0x3  }
0x92: {  	v48 =	vadd.s32 v21, v36;
	[tilespmem:s21+$0x400] =	vst v35  }
0x93: {  	v35 =	vor.u32 v34, v48;
	v33 =	vld.idx.msk [tilespmem:v33+s10+$0x0], $0xffff  }
0x94: {  	v35 =	vor.u32 v20, v35;
	_ =	sdelay $0x3  }
0x95: {  	v49 =	vadd.s32 v23, v36;
	[tilespmem:s21+$0x410] =	vst v33  }
0x96: {  	v33 =	vor.u32 v34, v49;
	v35 =	vld.idx.msk [tilespmem:v35+s10+$0x0], $0xffff  }
0x97: {  	v33 =	vor.u32 v22, v33;
	_ =	sdelay $0x3  }
0x98: {  	v50 =	vadd.s32 v25, v36;
	[tilespmem:s21+$0x420] =	vst v35  }
0x99: {  	v35 =	vor.u32 v34, v50;
	v33 =	vld.idx.msk [tilespmem:v33+s10+$0x0], $0xffff  }
0x9a: {  	v35 =	vor.u32 v24, v35;
	_ =	sdelay $0x3  }
0x9b: {  	v51 =	vadd.s32 v27, v36;
	[tilespmem:s21+$0x430] =	vst v33  }
0x9c: {  	v33 =	vor.u32 v34, v51;
	v35 =	vld.idx.msk [tilespmem:v35+s10+$0x0], $0xffff  }
0x9d: {  	v33 =	vor.u32 v26, v33;
	_ =	sdelay $0x3  }
0x9e: {  	v52 =	vadd.s32 v29, v36;
	[tilespmem:s21+$0x440] =	vst v35  }
0x9f: {  	v35 =	vor.u32 v34, v52;
	v33 =	vld.idx.msk [tilespmem:v33+s10+$0x0], $0xffff  }
0xa0: {  	v35 =	vor.u32 v28, v35;
	_ =	sdelay $0x3  }
0xa1: {  	s28 =	sadd.s32 $0x2, s19;
	v53 =	vadd.s32 v31, v36;
	[tilespmem:s21+$0x450] =	vst v33  }
0xa2: {  	v54 =	vmov s28;
	v33 =	vor.u32 v34, v53;
	v35 =	vld.idx.msk [tilespmem:v35+s10+$0x0], $0xffff  }
0xa3: {  	v55 =	vshrl.u32 v54, $0x3;
	v33 =	vor.u32 v30, v33  }
0xa4: {  	v36 =	vmul.u32 $0x1800, v55;
	_ =	sdelay $0x1  }
0xa5: {  	v36 =	vadd.s32 v32, v36;
	v34 =	vshll.u32 v54, $0x7  }
0xa6: {  	v56 =	vadd.s32 v1, v36;
	v34 =	vand.u32 $0x300, v34;
	[tilespmem:s21+$0x460] =	vst v35  }
0xa7: {  	v35 =	vor.u32 v34, v56;
	v33 =	vld.idx.msk [tilespmem:v33+s10+$0x0], $0xffff  }
0xa8: {  	v35 =	vor.u32 v0, v35;
	_ =	sdelay $0x3  }
0xa9: {  	v57 =	vadd.s32 v3, v36;
	[tilespmem:s21+$0x470] =	vst v33  }
0xaa: {  	v33 =	vor.u32 v34, v57;
	v35 =	vld.idx.msk [tilespmem:v35+s10+$0x0], $0xffff  }
0xab: {  	v33 =	vor.u32 v2, v33  }
0xac: {  	s29 =	sadd.s32 $0xFFFFFF80, s17  }
0xad: {  	s21 =	sand.u32 $0x300, s29  }
0xae: {  	s21 =	sadd.s32 s21, s20  }
0xaf: {  	v58 =	vadd.s32 v5, v36;
	[tilespmem:s21+$0x0] =	vst v35  }
0xb0: {  	v35 =	vor.u32 v34, v58;
	v33 =	vld.idx.msk [tilespmem:v33+s10+$0x0], $0xffff  }
0xb1: {  	v35 =	vor.u32 v4, v35;
	_ =	sdelay $0x3  }
0xb2: {  	v59 =	vadd.s32 v7, v36;
	[tilespmem:s21+$0x10] =	vst v33  }
0xb3: {  	v33 =	vor.u32 v34, v59;
	v35 =	vld.idx.msk [tilespmem:v35+s10+$0x0], $0xffff  }
0xb4: {  	v33 =	vor.u32 v6, v33;
	_ =	sdelay $0x3  }
0xb5: {  	v60 =	vadd.s32 v9, v36;
	[tilespmem:s21+$0x20] =	vst v35  }
0xb6: {  	v35 =	vor.u32 v34, v60;
	v33 =	vld.idx.msk [tilespmem:v33+s10+$0x0], $0xffff  }
0xb7: {  	v35 =	vor.u32 v8, v35;
	_ =	sdelay $0x3  }
0xb8: {  	v61 =	vadd.s32 v11, v36;
	[tilespmem:s21+$0x30] =	vst v33  }
0xb9: {  	v33 =	vor.u32 v34, v61;
	v35 =	vld.idx.msk [tilespmem:v35+s10+$0x0], $0xffff  }
0xba: {  	v33 =	vor.u32 v10, v33;
	_ =	sdelay $0x3  }
0xbb: {  	v62 =	vadd.s32 v13, v36;
	[tilespmem:s21+$0x40] =	vst v35  }
0xbc: {  	v35 =	vor.u32 v34, v62;
	v33 =	vld.idx.msk [tilespmem:v33+s10+$0x0], $0xffff  }
0xbd: {  	v35 =	vor.u32 v12, v35;
	_ =	sdelay $0x3  }
0xbe: {  	v63 =	vadd.s32 v15, v36;
	[tilespmem:s21+$0x50] =	vst v33  }
0xbf: {  	v33 =	vor.u32 v34, v63;
	v35 =	vld.idx.msk [tilespmem:v35+s10+$0x0], $0xffff  }
0xc0: {  	v33 =	vor.u32 v14, v33;
	_ =	sdelay $0x3  }
0xc1: {  	v37 =	vadd.s32 v17, v36;
	[tilespmem:s21+$0x60] =	vst v35  }
0xc2: {  	v35 =	vor.u32 v34, v37;
	v33 =	vld.idx.msk [tilespmem:v33+s10+$0x0], $0xffff  }
0xc3: {  	v35 =	vor.u32 v16, v35;
	_ =	sdelay $0x3  }
0xc4: {  	v38 =	vadd.s32 v19, v36;
	[tilespmem:s21+$0x70] =	vst v33  }
0xc5: {  	v33 =	vor.u32 v34, v38;
	v35 =	vld.idx.msk [tilespmem:v35+s10+$0x0], $0xffff  }
0xc6: {  	v33 =	vor.u32 v18, v33;
	_ =	sdelay $0x3  }
0xc7: {  	v39 =	vadd.s32 v21, v36;
	[tilespmem:s21+$0x400] =	vst v35  }
0xc8: {  	v35 =	vor.u32 v34, v39;
	v33 =	vld.idx.msk [tilespmem:v33+s10+$0x0], $0xffff  }
0xc9: {  	v35 =	vor.u32 v20, v35;
	_ =	sdelay $0x3  }
0xca: {  	v40 =	vadd.s32 v23, v36;
	[tilespmem:s21+$0x410] =	vst v33  }
0xcb: {  	v33 =	vor.u32 v34, v40;
	v35 =	vld.idx.msk [tilespmem:v35+s10+$0x0], $0xffff  }
0xcc: {  	v33 =	vor.u32 v22, v33;
	_ =	sdelay $0x3  }
0xcd: {  	v41 =	vadd.s32 v25, v36;
	[tilespmem:s21+$0x420] =	vst v35  }
0xce: {  	v35 =	vor.u32 v34, v41;
	v33 =	vld.idx.msk [tilespmem:v33+s10+$0x0], $0xffff  }
0xcf: {  	v35 =	vor.u32 v24, v35;
	_ =	sdelay $0x3  }
0xd0: {  	v42 =	vadd.s32 v27, v36;
	[tilespmem:s21+$0x430] =	vst v33  }
0xd1: {  	v33 =	vor.u32 v34, v42;
	v35 =	vld.idx.msk [tilespmem:v35+s10+$0x0], $0xffff  }
0xd2: {  	v33 =	vor.u32 v26, v33;
	_ =	sdelay $0x3  }
0xd3: {  	v43 =	vadd.s32 v29, v36;
	[tilespmem:s21+$0x440] =	vst v35  }
0xd4: {  	v35 =	vor.u32 v34, v43;
	v33 =	vld.idx.msk [tilespmem:v33+s10+$0x0], $0xffff  }
0xd5: {  	v35 =	vor.u32 v28, v35;
	_ =	sdelay $0x3  }
0xd6: {  	s30 =	sadd.s32 $0x3, s19;
	v44 =	vadd.s32 v31, v36;
	[tilespmem:s21+$0x450] =	vst v33  }
0xd7: {  	v45 =	vmov s30;
	v33 =	vor.u32 v34, v44;
	v35 =	vld.idx.msk [tilespmem:v35+s10+$0x0], $0xffff  }
0xd8: {  	v46 =	vshrl.u32 v45, $0x3;
	v33 =	vor.u32 v30, v33  }
0xd9: {  	v34 =	vmul.u32 $0x1800, v46;
	_ =	sdelay $0x1  }
0xda: {  	v36 =	vshll.u32 v45, $0x7;
	v34 =	vadd.s32 v32, v34  }
0xdb: {  	v36 =	vand.u32 $0x380, v36;
	v47 =	vadd.s32 v1, v34;
	[tilespmem:s21+$0x460] =	vst v35  }
0xdc: {  	v35 =	vor.u32 v36, v47;
	v33 =	vld.idx.msk [tilespmem:v33+s10+$0x0], $0xffff  }
0xdd: {  	v35 =	vor.u32 v0, v35;
	_ =	sdelay $0x3  }
0xde: {  	v48 =	vadd.s32 v3, v34;
	[tilespmem:s21+$0x470] =	vst v33  }
0xdf: {  	v33 =	vor.u32 v36, v48;
	v35 =	vld.idx.msk [tilespmem:v35+s10+$0x0], $0xffff  }
0xe0: {  	v33 =	vor.u32 v2, v33;
	_ =	sdelay $0x1  }
0xe1: {  	s31 =	sand.u32 $0x380, s17  }
0xe2: {  	s20 =	sadd.s32 s31, s20  }
0xe3: {  	v49 =	vadd.s32 v5, v34;
	[tilespmem:s20+$0x0] =	vst v35  }
0xe4: {  	v35 =	vor.u32 v36, v49;
	v33 =	vld.idx.msk [tilespmem:v33+s10+$0x0], $0xffff  }
0xe5: {  	v35 =	vor.u32 v4, v35;
	_ =	sdelay $0x3  }
0xe6: {  	v50 =	vadd.s32 v7, v34;
	[tilespmem:s20+$0x10] =	vst v33  }
0xe7: {  	v33 =	vor.u32 v36, v50;
	v35 =	vld.idx.msk [tilespmem:v35+s10+$0x0], $0xffff  }
0xe8: {  	v33 =	vor.u32 v6, v33;
	_ =	sdelay $0x3  }
0xe9: {  	v51 =	vadd.s32 v9, v34;
	[tilespmem:s20+$0x20] =	vst v35  }
0xea: {  	v35 =	vor.u32 v36, v51;
	v33 =	vld.idx.msk [tilespmem:v33+s10+$0x0], $0xffff  }
0xeb: {  	v35 =	vor.u32 v8, v35;
	_ =	sdelay $0x3  }
0xec: {  	v52 =	vadd.s32 v11, v34;
	[tilespmem:s20+$0x30] =	vst v33  }
0xed: {  	v33 =	vor.u32 v36, v52;
	v35 =	vld.idx.msk [tilespmem:v35+s10+$0x0], $0xffff  }
0xee: {  	v33 =	vor.u32 v10, v33;
	_ =	sdelay $0x3  }
0xef: {  	v53 =	vadd.s32 v13, v34;
	[tilespmem:s20+$0x40] =	vst v35  }
0xf0: {  	v35 =	vor.u32 v36, v53;
	v33 =	vld.idx.msk [tilespmem:v33+s10+$0x0], $0xffff  }
0xf1: {  	v35 =	vor.u32 v12, v35;
	_ =	sdelay $0x3  }
0xf2: {  	v54 =	vadd.s32 v15, v34;
	[tilespmem:s20+$0x50] =	vst v33  }
0xf3: {  	v33 =	vor.u32 v36, v54;
	v35 =	vld.idx.msk [tilespmem:v35+s10+$0x0], $0xffff  }
0xf4: {  	v33 =	vor.u32 v14, v33;
	_ =	sdelay $0x3  }
0xf5: {  	v55 =	vadd.s32 v17, v34;
	[tilespmem:s20+$0x60] =	vst v35  }
0xf6: {  	v35 =	vor.u32 v36, v55;
	v33 =	vld.idx.msk [tilespmem:v33+s10+$0x0], $0xffff  }
0xf7: {  	v35 =	vor.u32 v16, v35;
	_ =	sdelay $0x3  }
0xf8: {  	v56 =	vadd.s32 v19, v34;
	[tilespmem:s20+$0x70] =	vst v33  }
0xf9: {  	v33 =	vor.u32 v36, v56;
	v35 =	vld.idx.msk [tilespmem:v35+s10+$0x0], $0xffff  }
0xfa: {  	v33 =	vor.u32 v18, v33;
	_ =	sdelay $0x3  }
0xfb: {  	v57 =	vadd.s32 v21, v34;
	[tilespmem:s20+$0x400] =	vst v35  }
0xfc: {  	v35 =	vor.u32 v36, v57;
	v33 =	vld.idx.msk [tilespmem:v33+s10+$0x0], $0xffff  }
0xfd: {  	v35 =	vor.u32 v20, v35;
	_ =	sdelay $0x3  }
0xfe: {  	v58 =	vadd.s32 v23, v34;
	[tilespmem:s20+$0x410] =	vst v33  }
0xff: {  	v33 =	vor.u32 v36, v58;
	v35 =	vld.idx.msk [tilespmem:v35+s10+$0x0], $0xffff  }
0x100: {  	v33 =	vor.u32 v22, v33;
	_ =	sdelay $0x3  }
0x101: {  	v59 =	vadd.s32 v25, v34;
	[tilespmem:s20+$0x420] =	vst v35  }
0x102: {  	v35 =	vor.u32 v36, v59;
	v33 =	vld.idx.msk [tilespmem:v33+s10+$0x0], $0xffff  }
0x103: {  	v35 =	vor.u32 v24, v35;
	_ =	sdelay $0x3  }
0x104: {  	v60 =	vadd.s32 v27, v34;
	[tilespmem:s20+$0x430] =	vst v33  }
0x105: {  	v33 =	vor.u32 v36, v60;
	v35 =	vld.idx.msk [tilespmem:v35+s10+$0x0], $0xffff  }
0x106: {  	v33 =	vor.u32 v26, v33;
	_ =	sdelay $0x3  }
0x107: {  	v61 =	vadd.s32 v29, v34;
	[tilespmem:s20+$0x440] =	vst v35  }
0x108: {  	v35 =	vor.u32 v36, v61;
	v33 =	vld.idx.msk [tilespmem:v33+s10+$0x0], $0xffff  }
0x109: {  	v35 =	vor.u32 v28, v35;
	_ =	sdelay $0x3  }
0x10a: {  	v62 =	vadd.s32 v31, v34;
	[tilespmem:s20+$0x450] =	vst v33  }
0x10b: {  	v33 =	vor.u32 v36, v62;
	v63 =	vld.idx.msk [tilespmem:v35+s10+$0x0], $0xffff  }
0x10c: {  	v33 =	vor.u32 v30, v33;
	_ =	sdelay $0x3  }
0x10d: {  	[tilespmem:s20+$0x460] =	vst v63  }
0x10e: {  	p0 =	slt.u32 s19, $0x34;
	v33 =	vld.idx.msk [tilespmem:v33+s10+$0x0], $0xffff  }
.Ltmp0:
0x10f: {  	_ = 	snop;
	(pc) =	sbr.rel @p0 .LBB2_3-.Ltmp0, $2  }
0x110: {  	_ =	sdelay $0x2  }
0x111: {  	s17 =	sadd.s32 $0x200, s17;
	s18 =	sadd.s32 $0x400, s18;
	s19 =	sadd.s32 $0x4, s19;
	[tilespmem:s20+$0x470] =	vst v33  }
0x112: {  	p0 =	sne.s32 s14, $0x38  }
.Ltmp1:
0x113: {  	_ = 	snop;
	(pc) =	sbr.rel @p0 .LBB2_2-.Ltmp1, $4  }
0x114: {  	_ = 	snop  }
0x115: {  	s15 =	sshll.u32 s15, $0x5  }
0x116: {  	s15 =	sadd.s32 s5, s15  }
0x117: {  	[hbm4b:s15+s6] =	stream.linear.scatter [tilespmem:s16], [sflag:$0x2], $0x3800, $0x38;
	[tilespmem:$0x1C100] =	vst v63  }
0x118: {  	s13 =	sadd.s32 $0x1, s13  }
0x119: {  	_ =	swait.ge [sflag:s12], $0x3800;
	p0 =	sne.s32 s13, s8  }
.Ltmp2:
0x11a: {  	[sflag:s12] =	ssyncset.done $0x0;
	(pc) =	sbr.rel @p0 .LBB2_1-.Ltmp2, $4  }
0x11b: {  	[sflag:s12] =	ssyncadd.s32 $0xFFFFC800  }
0x11c: {  	_ =	swait.ge [sflag:s12], $0x3800  }
0x11d: {  	[sflag:s12] =	ssyncset.done $0x0  }
0x11e: {  	[sflag:s12] =	ssyncadd.s32 $0xFFFFC800  }
0x11f: {  	_ =	sfence.sel $0x180000  }
0x120: {  	[bflag:$0x0] =	sbarrier.arrive $0xFFFF  }
0x121: {  	p0 =	sne.s32 s0, $0x0;
	_ =	strace $0x90000047  }
0x122: {  	s0 =	sadd.s32 @!p0 $0x100000, s1;
	[bflag:$0x2] =	sbarrier.arrive $0xFFFF  }
0x123: {  	[sflag:s0] =	ssyncadd.tile.s32 @!p0 $0x1;
	_ =	shalt  }
.Lfunc_end2:
_tile_overlayer_lowered:
.L_overlay_start_2:
0x124: {  	(tag) =	ssettag $0x2  }
0x125: {  	s0 =	rddreg [dreg:$0x0];
	s2 =	stileid.u32  }
0x126: {  	s1 =	rddreg [dreg:$0x1];
	p0 =	sne.s32 s2, $0x0  }
0x127: {  	s3 =	rddreg [dreg:$0x2];
	[bflag:$0x3] =	sbarrier.arrive $0xFFFF;
	s2 =	simm.s32 @!p0 $0x1C03  }
0x128: {  	[timem:s3], [sflag:s2] =	dma.local @!p0 [hbm:s0], s1  }
0x129: {  	s0 =	simm.s32 @!p0 $0x3  }
0x12a: {  	_ =	swait.ge @!p0 [sflag:s0], s1  }
0x12b: {  	s1 =	ssub.s32 @!p0 $0x0, s1;
	[sflag:s0] =	ssyncset.done @!p0 $0x0  }
0x12c: {  	[sflag:s0] =	ssyncadd.s32 @!p0 s1  }
0x12d: {  	[bflag:$0x3] =	sbarrier.arrive $0xFFFF  }
0x12e: {  	_ =	shalt  }

</sc_bundles>
